<compile_context>
chip_gen: v7x
topology: tpu7x:2x2x1
jax: 0.10.2.dev20260603
libtpu: 0.0.44.dev20260713+nightly
codegen_flags: <defaults>
</compile_context>

<pallas_src>
import functools

import jax
import jax.numpy as jnp
from jax import lax
from jax.experimental import pallas as pl
from jax.experimental.pallas import tpu as pltpu
from jax.experimental.pallas import tpu_sc as plsc

B, L, E = 4096, 200, 32
LE = L * E
NC, NS = 2, 16
NW = NC * NS
RPW = B // NW
SPLIT = 128
REST = L - SPLIT
NBUF = 4
BB = 128


def _sc_gather(inputs, table):
  mesh = plsc.VectorSubcoreMesh(core_axis_name="c", subcore_axis_name="s")

  @functools.partial(
      pl.kernel,
      out_type=jax.ShapeDtypeStruct((B * L, E), jnp.float32),
      mesh=mesh,
      compiler_params=pltpu.CompilerParams(
          use_tc_tiling_on_sc=False, needs_layout_passes=False),
      scratch_types=[
          pltpu.VMEM((RPW, L), jnp.int32),
          pltpu.VMEM((NBUF, L, E), jnp.float32),
          pltpu.SemaphoreType.DMA((NBUF,)),
          pltpu.SemaphoreType.DMA((NBUF,)),
      ],
  )
  def k(inputs_hbm, table_hbm, emb_hbm, idx_v, bufs, gsem, osem):
    wid = lax.axis_index("s") * NC + lax.axis_index("c")
    base = wid * RPW

    pltpu.sync_copy(inputs_hbm.at[pl.ds(base, RPW)], idx_v)

    def gather_row(r, b, start):
      cp0 = pltpu.make_async_copy(
          table_hbm.at[idx_v.at[r, pl.ds(0, SPLIT)]],
          bufs.at[b, pl.ds(0, SPLIT)], gsem.at[b])
      cp1 = pltpu.make_async_copy(
          table_hbm.at[idx_v.at[r, pl.ds(SPLIT, REST)]],
          bufs.at[b, pl.ds(SPLIT, REST)], gsem.at[b])
      if start:
        cp0.start()
        cp1.start()
      else:
        cp0.wait()
        cp1.wait()

    def out_row(r, b, start):
      cp = pltpu.make_async_copy(bufs.at[b],
                                 emb_hbm.at[pl.ds((base + r) * L, L)],
                                 osem.at[b])
      if start:
        cp.start()
      else:
        cp.wait()

    for x in range(NBUF - 1):
      gather_row(x, x, True)

    def group(g, carry):
      for b in range(NBUF):
        r = g * NBUF + b
        bprev = (b - 1) % NBUF
        gather_row(r, b, False)
        out_row(r, b, True)

        @pl.when(r >= 1)
        def _():
          out_row(r - 1, bprev, False)

        @pl.when(r + NBUF - 1 < RPW)
        def _():
          gather_row(r + NBUF - 1, bprev, True)

      return carry

    lax.fori_loop(0, RPW // NBUF, group, 0)
    out_row(RPW - 1, (RPW - 1) % NBUF, False)

  return k(inputs, table)


def _tc_finish(embw, fc_W, fc_b, cls_W, cls_b):

  def body(x_ref, w1_ref, b1_ref, w2_ref, b2_ref, t_ref, p_ref, fc_ref,
           lg_ref):
    x = x_ref[...]
    xt = jnp.transpose(x)
    t_ref[...] = xt
    xt3 = xt.reshape(L, E, BB)
    poolT = jnp.sum(xt3, axis=0) * jnp.float32(1.0 / L)
    p_ref[...] = poolT
    w1t = jnp.transpose(w1_ref[...])
    fc = jnp.maximum(
        jnp.dot(w1t, poolT, preferred_element_type=jnp.float32)
        + b1_ref[...], 0.0)
    fc_ref[...] = fc
    w2t = jnp.transpose(w2_ref[...])
    lg_ref[...] = jnp.dot(
        w2t, fc, preferred_element_type=jnp.float32) + b2_ref[...]

  nblk = B // BB
  return pl.pallas_call(
      body,
      grid=(nblk,),
      in_specs=[
          pl.BlockSpec((BB, LE), lambda i: (i, 0)),
          pl.BlockSpec((E, 64), lambda i: (0, 0)),
          pl.BlockSpec((64, 1), lambda i: (0, 0)),
          pl.BlockSpec((64, 2), lambda i: (0, 0)),
          pl.BlockSpec((2, 1), lambda i: (0, 0)),
      ],
      out_specs=(
          pl.BlockSpec((LE, BB), lambda i: (0, i)),
          pl.BlockSpec((E, BB), lambda i: (0, i)),
          pl.BlockSpec((64, BB), lambda i: (0, i)),
          pl.BlockSpec((2, BB), lambda i: (0, i)),
      ),
      out_shape=(
          jax.ShapeDtypeStruct((LE, B), jnp.float32),
          jax.ShapeDtypeStruct((E, B), jnp.float32),
          jax.ShapeDtypeStruct((64, B), jnp.float32),
          jax.ShapeDtypeStruct((2, B), jnp.float32),
      ),
  )(embw, fc_W, fc_b.reshape(64, 1), cls_W, cls_b.reshape(2, 1))


def kernel(inputs, table, fc_W, fc_b, cls_W, cls_b):
  myout = _sc_gather(inputs, table)
  embw = myout.reshape(B, LE)
  embT, poolT, fcT, logitsT = _tc_finish(embw, fc_W, fc_b, cls_W, cls_b)
  emb = jnp.transpose(embT.reshape(L, E, B), (2, 0, 1))
  return (jnp.transpose(logitsT), emb, jnp.transpose(poolT),
          jnp.transpose(fcT))

# --- scband reference (transcript-rebuilt; emitter-appended) ---
"""Pipeline reference for scband-text-large-margin-model-14388140442155 (READ-ONLY COPY).

The authoritative reference and input builder live on the scoring server;
editing this copy changes nothing except your own understanding.
"""

import jax, jax.numpy as jnp
import numpy as np

VOCAB = 1000000
EMBED = 32
NUM_CLASSES = 2
B, L = 4096, 200

def setup_inputs(seed: int = 0) -> dict:
    key = jax.random.key(seed)
    k0, k1, k2, k3, k4 = jax.random.split(key, 5)
    inputs = jax.random.randint(k0, (B, L), 0, VOCAB, dtype=jnp.int64 if jax.config.jax_enable_x64 else jnp.int32).astype(jnp.int32)
    table = jax.random.normal(k1, (VOCAB, EMBED), dtype=jnp.float32) * 0.05
    fc_W = jax.random.normal(k2, (EMBED, 64), dtype=jnp.float32) * (1.0 / np.sqrt(EMBED))
    fc_b = jnp.zeros((64,), dtype=jnp.float32)
    cls_W = jax.random.normal(k3, (64, NUM_CLASSES), dtype=jnp.float32) * (1.0 / np.sqrt(64))
    cls_b = jnp.zeros((NUM_CLASSES,), dtype=jnp.float32)
    return {"inputs": inputs, "table": table, "fc_W": fc_W, "fc_b": fc_b, "cls_W": cls_W, "cls_b": cls_b}

def reference(inputs, table, fc_W, fc_b, cls_W, cls_b):
    # Embedding lookup: [B, L] -> [B, L, EMBED]
    embedded_x = jnp.take(table, inputs, axis=0)
    # GlobalAveragePooling1D: mean over sequence axis
    pool_x = jnp.mean(embedded_x, axis=1)
    # Dense(64, relu)
    fc_x = jax.nn.relu(pool_x @ fc_W + fc_b)
    # Dense(num_classes, linear)
    logits = fc_x @ cls_W + cls_b
    return (logits, embedded_x, pool_x, fc_x)

if __name__ == "__main__":
    import jax
    _d = setup_inputs()
    print(jax.jit(kernel)(*tuple(_d.values())))

</pallas_src>

<mosaic_0001>
#map = affine_map<(d0, d1) -> (0, 0)>
module attributes {stable_mosaic.version = 14 : i64} {
  func.func @k(%arg0: i32, %arg1: i32, %arg2: memref<4096x200xi32, #tpu.memory_space<hbm>>, %arg3: memref<1000000x32xf32, #tpu.memory_space<hbm>>, %arg4: memref<819200x32xf32, #tpu.memory_space<hbm>>, %arg5: memref<128x200xi32, #tpu.memory_space<vmem>>, %arg6: memref<4x200x32xf32, #tpu.memory_space<vmem>>, %arg7: memref<4x!tpu.dma_semaphore, #tpu.memory_space<semaphore_mem>>, %arg8: memref<4x!tpu.dma_semaphore, #tpu.memory_space<semaphore_mem>>) attributes {dimension_semantics = [#tpu.dimension_semantics<core_parallel>, #tpu.dimension_semantics<subcore_parallel>], iteration_bounds = array<i64: 2, 16>, scalar_prefetch = 0 : i64, scratch_operands = 4 : i64, tpu.core_type = #tpu.core_type<sc_vector_subcore>, window_params = [{transform_indices = #map}, {transform_indices = #map}, {transform_indices = #map}]} {
    %mul3A = arith.constant 2 : i32
    %mul3A_0 = arith.muli %arg1, %mul3A : i32
    %add3A = arith.addi %mul3A_0, %arg0 : i32
    %mul3A_1 = arith.constant 128 : i32
    %mul3A_2 = arith.muli %add3A, %mul3A_1 : i32
    "tpu.region"() ({
      %run_scoped3A = tpu.sem_alloc : memref<!tpu.dma_semaphore, #tpu.memory_space<semaphore_mem>>
      %dma_start3A_116 = arith.constant 0 : i32
      %dma_start3A_117 = tpu.memref_slice %arg2[%mul3A_2, %dma_start3A_116] : memref<4096x200xi32, #tpu.memory_space<hbm>> -> memref<128x200xi32, #tpu.memory_space<hbm>>
      %dma_start3A_118 = arith.constant 0 : i32
      %dma_start3A_119 = tpu.memref_slice %arg2[%mul3A_2, %dma_start3A_118] : memref<4096x200xi32, #tpu.memory_space<hbm>> -> memref<128x200xi32, #tpu.memory_space<hbm>>
      tpu.enqueue_dma source(%dma_start3A_119 : memref<128x200xi32, #tpu.memory_space<hbm>>) target(%arg5 : memref<128x200xi32, #tpu.memory_space<vmem>>) target_semaphore(%run_scoped3A : memref<!tpu.dma_semaphore, #tpu.memory_space<semaphore_mem>>)
      %dma_wait3A_120 = arith.constant 0 : i32
      %dma_wait3A_121 = tpu.memref_slice %arg2[%mul3A_2, %dma_wait3A_120] : memref<4096x200xi32, #tpu.memory_space<hbm>> -> memref<128x200xi32, #tpu.memory_space<hbm>>
      %dma_wait3A_122 = arith.constant 0 : i32
      %dma_wait3A_123 = tpu.memref_slice %arg2[%mul3A_2, %dma_wait3A_122] : memref<4096x200xi32, #tpu.memory_space<hbm>> -> memref<128x200xi32, #tpu.memory_space<hbm>>
      tpu.wait_dma2 semaphore(%run_scoped3A : memref<!tpu.dma_semaphore, #tpu.memory_space<semaphore_mem>>) src(%dma_wait3A_123 : memref<128x200xi32, #tpu.memory_space<hbm>>) dst(%arg5 : memref<128x200xi32, #tpu.memory_space<vmem>>)
      tpu.yield
    }) : () -> ()
    %dma_start3A = arith.constant 0 : i32
    %dma_start3A_3 = arith.constant 0 : i32
    %dma_start3A_4 = arith.constant 0 : i32
    %dma_start3A_5 = arith.constant 0 : i32
    %dma_start3A_6 = arith.constant 0 : i32
    %dma_start3A_7 = tpu.memref_slice %arg6[%dma_start3A_3, %dma_start3A_5, %dma_start3A_6] : memref<4x200x32xf32, #tpu.memory_space<vmem>> -> memref<1x128x32xf32, #tpu.memory_space<vmem>>
    %dma_start3A_8 = tpu.memref_squeeze %dma_start3A_7 : memref<1x128x32xf32, #tpu.memory_space<vmem>> -> memref<128x32xf32, #tpu.memory_space<vmem>>
    %dma_start3A_9 = arith.constant 0 : i32
    %dma_start3A_10 = tpu.memref_slice %arg5[%dma_start3A, %dma_start3A_9] : memref<128x200xi32, #tpu.memory_space<vmem>> -> memref<1x128xi32, #tpu.memory_space<vmem>>
    %dma_start3A_11 = tpu.memref_squeeze %dma_start3A_10 : memref<1x128xi32, #tpu.memory_space<vmem>> -> memref<128xi32, #tpu.memory_space<vmem>>
    %dma_start3A_12 = arith.constant 0 : i32
    %dma_start3A_13 = arith.constant 0 : i32
    %dma_start3A_14 = tpu.memref_slice %arg3[%dma_start3A_12, %dma_start3A_13] : memref<1000000x32xf32, #tpu.memory_space<hbm>> -> memref<1000000x32xf32, #tpu.memory_space<hbm>>
    %dma_start3A_15 = tpu.memref_slice %arg7[%dma_start3A_4] : memref<4x!tpu.dma_semaphore, #tpu.memory_space<semaphore_mem>> -> memref<1x!tpu.dma_semaphore, #tpu.memory_space<semaphore_mem>>
    %dma_start3A_16 = tpu.memref_squeeze %dma_start3A_15 : memref<1x!tpu.dma_semaphore, #tpu.memory_space<semaphore_mem>> -> memref<!tpu.dma_semaphore, #tpu.memory_space<semaphore_mem>>
    tpu.enqueue_indirect_dma source(%dma_start3A_14 : memref<1000000x32xf32, #tpu.memory_space<hbm>>) target(%dma_start3A_8 : memref<128x32xf32, #tpu.memory_space<vmem>>) offsets(%dma_start3A_11 : memref<128xi32, #tpu.memory_space<vmem>>) semaphore(%dma_start3A_16 : memref<!tpu.dma_semaphore, #tpu.memory_space<semaphore_mem>>)
    %dma_start3A_17 = arith.constant 0 : i32
    %dma_start3A_18 = arith.constant 0 : i32
    %dma_start3A_19 = arith.constant 0 : i32
    %dma_start3A_20 = arith.constant 128 : i32
    %dma_start3A_21 = arith.constant 0 : i32
    %dma_start3A_22 = tpu.memref_slice %arg6[%dma_start3A_18, %dma_start3A_20, %dma_start3A_21] : memref<4x200x32xf32, #tpu.memory_space<vmem>> -> memref<1x72x32xf32, #tpu.memory_space<vmem>>
    %dma_start3A_23 = tpu.memref_squeeze %dma_start3A_22 : memref<1x72x32xf32, #tpu.memory_space<vmem>> -> memref<72x32xf32, #tpu.memory_space<vmem>>
    %dma_start3A_24 = arith.constant 128 : i32
    %dma_start3A_25 = tpu.memref_slice %arg5[%dma_start3A_17, %dma_start3A_24] : memref<128x200xi32, #tpu.memory_space<vmem>> -> memref<1x72xi32, #tpu.memory_space<vmem>>
    %dma_start3A_26 = tpu.memref_squeeze %dma_start3A_25 : memref<1x72xi32, #tpu.memory_space<vmem>> -> memref<72xi32, #tpu.memory_space<vmem>>
    %dma_start3A_27 = arith.constant 0 : i32
    %dma_start3A_28 = arith.constant 0 : i32
    %dma_start3A_29 = tpu.memref_slice %arg3[%dma_start3A_27, %dma_start3A_28] : memref<1000000x32xf32, #tpu.memory_space<hbm>> -> memref<1000000x32xf32, #tpu.memory_space<hbm>>
    %dma_start3A_30 = tpu.memref_slice %arg7[%dma_start3A_19] : memref<4x!tpu.dma_semaphore, #tpu.memory_space<semaphore_mem>> -> memref<1x!tpu.dma_semaphore, #tpu.memory_space<semaphore_mem>>
    %dma_start3A_31 = tpu.memref_squeeze %dma_start3A_30 : memref<1x!tpu.dma_semaphore, #tpu.memory_space<semaphore_mem>> -> memref<!tpu.dma_semaphore, #tpu.memory_space<semaphore_mem>>
    tpu.enqueue_indirect_dma source(%dma_start3A_29 : memref<1000000x32xf32, #tpu.memory_space<hbm>>) target(%dma_start3A_23 : memref<72x32xf32, #tpu.memory_space<vmem>>) offsets(%dma_start3A_26 : memref<72xi32, #tpu.memory_space<vmem>>) semaphore(%dma_start3A_31 : memref<!tpu.dma_semaphore, #tpu.memory_space<semaphore_mem>>)
    %dma_start3A_32 = arith.constant 1 : i32
    %dma_start3A_33 = arith.constant 1 : i32
    %dma_start3A_34 = arith.constant 1 : i32
    %dma_start3A_35 = arith.constant 0 : i32
    %dma_start3A_36 = arith.constant 0 : i32
    %dma_start3A_37 = tpu.memref_slice %arg6[%dma_start3A_33, %dma_start3A_35, %dma_start3A_36] : memref<4x200x32xf32, #tpu.memory_space<vmem>> -> memref<1x128x32xf32, #tpu.memory_space<vmem>>
    %dma_start3A_38 = tpu.memref_squeeze %dma_start3A_37 : memref<1x128x32xf32, #tpu.memory_space<vmem>> -> memref<128x32xf32, #tpu.memory_space<vmem>>
    %dma_start3A_39 = arith.constant 0 : i32
    %dma_start3A_40 = tpu.memref_slice %arg5[%dma_start3A_32, %dma_start3A_39] : memref<128x200xi32, #tpu.memory_space<vmem>> -> memref<1x128xi32, #tpu.memory_space<vmem>>
    %dma_start3A_41 = tpu.memref_squeeze %dma_start3A_40 : memref<1x128xi32, #tpu.memory_space<vmem>> -> memref<128xi32, #tpu.memory_space<vmem>>
    %dma_start3A_42 = arith.constant 0 : i32
    %dma_start3A_43 = arith.constant 0 : i32
    %dma_start3A_44 = tpu.memref_slice %arg3[%dma_start3A_42, %dma_start3A_43] : memref<1000000x32xf32, #tpu.memory_space<hbm>> -> memref<1000000x32xf32, #tpu.memory_space<hbm>>
    %dma_start3A_45 = tpu.memref_slice %arg7[%dma_start3A_34] : memref<4x!tpu.dma_semaphore, #tpu.memory_space<semaphore_mem>> -> memref<1x!tpu.dma_semaphore, #tpu.memory_space<semaphore_mem>>
    %dma_start3A_46 = tpu.memref_squeeze %dma_start3A_45 : memref<1x!tpu.dma_semaphore, #tpu.memory_space<semaphore_mem>> -> memref<!tpu.dma_semaphore, #tpu.memory_space<semaphore_mem>>
    tpu.enqueue_indirect_dma source(%dma_start3A_44 : memref<1000000x32xf32, #tpu.memory_space<hbm>>) target(%dma_start3A_38 : memref<128x32xf32, #tpu.memory_space<vmem>>) offsets(%dma_start3A_41 : memref<128xi32, #tpu.memory_space<vmem>>) semaphore(%dma_start3A_46 : memref<!tpu.dma_semaphore, #tpu.memory_space<semaphore_mem>>)
    %dma_start3A_47 = arith.constant 1 : i32
    %dma_start3A_48 = arith.constant 1 : i32
    %dma_start3A_49 = arith.constant 1 : i32
    %dma_start3A_50 = arith.constant 128 : i32
    %dma_start3A_51 = arith.constant 0 : i32
    %dma_start3A_52 = tpu.memref_slice %arg6[%dma_start3A_48, %dma_start3A_50, %dma_start3A_51] : memref<4x200x32xf32, #tpu.memory_space<vmem>> -> memref<1x72x32xf32, #tpu.memory_space<vmem>>
    %dma_start3A_53 = tpu.memref_squeeze %dma_start3A_52 : memref<1x72x32xf32, #tpu.memory_space<vmem>> -> memref<72x32xf32, #tpu.memory_space<vmem>>
    %dma_start3A_54 = arith.constant 128 : i32
    %dma_start3A_55 = tpu.memref_slice %arg5[%dma_start3A_47, %dma_start3A_54] : memref<128x200xi32, #tpu.memory_space<vmem>> -> memref<1x72xi32, #tpu.memory_space<vmem>>
    %dma_start3A_56 = tpu.memref_squeeze %dma_start3A_55 : memref<1x72xi32, #tpu.memory_space<vmem>> -> memref<72xi32, #tpu.memory_space<vmem>>
    %dma_start3A_57 = arith.constant 0 : i32
    %dma_start3A_58 = arith.constant 0 : i32
    %dma_start3A_59 = tpu.memref_slice %arg3[%dma_start3A_57, %dma_start3A_58] : memref<1000000x32xf32, #tpu.memory_space<hbm>> -> memref<1000000x32xf32, #tpu.memory_space<hbm>>
    %dma_start3A_60 = tpu.memref_slice %arg7[%dma_start3A_49] : memref<4x!tpu.dma_semaphore, #tpu.memory_space<semaphore_mem>> -> memref<1x!tpu.dma_semaphore, #tpu.memory_space<semaphore_mem>>
    %dma_start3A_61 = tpu.memref_squeeze %dma_start3A_60 : memref<1x!tpu.dma_semaphore, #tpu.memory_space<semaphore_mem>> -> memref<!tpu.dma_semaphore, #tpu.memory_space<semaphore_mem>>
    tpu.enqueue_indirect_dma source(%dma_start3A_59 : memref<1000000x32xf32, #tpu.memory_space<hbm>>) target(%dma_start3A_53 : memref<72x32xf32, #tpu.memory_space<vmem>>) offsets(%dma_start3A_56 : memref<72xi32, #tpu.memory_space<vmem>>) semaphore(%dma_start3A_61 : memref<!tpu.dma_semaphore, #tpu.memory_space<semaphore_mem>>)
    %dma_start3A_62 = arith.constant 2 : i32
    %dma_start3A_63 = arith.constant 2 : i32
    %dma_start3A_64 = arith.constant 2 : i32
    %dma_start3A_65 = arith.constant 0 : i32
    %dma_start3A_66 = arith.constant 0 : i32
    %dma_start3A_67 = tpu.memref_slice %arg6[%dma_start3A_63, %dma_start3A_65, %dma_start3A_66] : memref<4x200x32xf32, #tpu.memory_space<vmem>> -> memref<1x128x32xf32, #tpu.memory_space<vmem>>
    %dma_start3A_68 = tpu.memref_squeeze %dma_start3A_67 : memref<1x128x32xf32, #tpu.memory_space<vmem>> -> memref<128x32xf32, #tpu.memory_space<vmem>>
    %dma_start3A_69 = arith.constant 0 : i32
    %dma_start3A_70 = tpu.memref_slice %arg5[%dma_start3A_62, %dma_start3A_69] : memref<128x200xi32, #tpu.memory_space<vmem>> -> memref<1x128xi32, #tpu.memory_space<vmem>>
    %dma_start3A_71 = tpu.memref_squeeze %dma_start3A_70 : memref<1x128xi32, #tpu.memory_space<vmem>> -> memref<128xi32, #tpu.memory_space<vmem>>
    %dma_start3A_72 = arith.constant 0 : i32
    %dma_start3A_73 = arith.constant 0 : i32
    %dma_start3A_74 = tpu.memref_slice %arg3[%dma_start3A_72, %dma_start3A_73] : memref<1000000x32xf32, #tpu.memory_space<hbm>> -> memref<1000000x32xf32, #tpu.memory_space<hbm>>
    %dma_start3A_75 = tpu.memref_slice %arg7[%dma_start3A_64] : memref<4x!tpu.dma_semaphore, #tpu.memory_space<semaphore_mem>> -> memref<1x!tpu.dma_semaphore, #tpu.memory_space<semaphore_mem>>
    %dma_start3A_76 = tpu.memref_squeeze %dma_start3A_75 : memref<1x!tpu.dma_semaphore, #tpu.memory_space<semaphore_mem>> -> memref<!tpu.dma_semaphore, #tpu.memory_space<semaphore_mem>>
    tpu.enqueue_indirect_dma source(%dma_start3A_74 : memref<1000000x32xf32, #tpu.memory_space<hbm>>) target(%dma_start3A_68 : memref<128x32xf32, #tpu.memory_space<vmem>>) offsets(%dma_start3A_71 : memref<128xi32, #tpu.memory_space<vmem>>) semaphore(%dma_start3A_76 : memref<!tpu.dma_semaphore, #tpu.memory_space<semaphore_mem>>)
    %dma_start3A_77 = arith.constant 2 : i32
    %dma_start3A_78 = arith.constant 2 : i32
    %dma_start3A_79 = arith.constant 2 : i32
    %dma_start3A_80 = arith.constant 128 : i32
    %dma_start3A_81 = arith.constant 0 : i32
    %dma_start3A_82 = tpu.memref_slice %arg6[%dma_start3A_78, %dma_start3A_80, %dma_start3A_81] : memref<4x200x32xf32, #tpu.memory_space<vmem>> -> memref<1x72x32xf32, #tpu.memory_space<vmem>>
    %dma_start3A_83 = tpu.memref_squeeze %dma_start3A_82 : memref<1x72x32xf32, #tpu.memory_space<vmem>> -> memref<72x32xf32, #tpu.memory_space<vmem>>
    %dma_start3A_84 = arith.constant 128 : i32
    %dma_start3A_85 = tpu.memref_slice %arg5[%dma_start3A_77, %dma_start3A_84] : memref<128x200xi32, #tpu.memory_space<vmem>> -> memref<1x72xi32, #tpu.memory_space<vmem>>
    %dma_start3A_86 = tpu.memref_squeeze %dma_start3A_85 : memref<1x72xi32, #tpu.memory_space<vmem>> -> memref<72xi32, #tpu.memory_space<vmem>>
    %dma_start3A_87 = arith.constant 0 : i32
    %dma_start3A_88 = arith.constant 0 : i32
    %dma_start3A_89 = tpu.memref_slice %arg3[%dma_start3A_87, %dma_start3A_88] : memref<1000000x32xf32, #tpu.memory_space<hbm>> -> memref<1000000x32xf32, #tpu.memory_space<hbm>>
    %dma_start3A_90 = tpu.memref_slice %arg7[%dma_start3A_79] : memref<4x!tpu.dma_semaphore, #tpu.memory_space<semaphore_mem>> -> memref<1x!tpu.dma_semaphore, #tpu.memory_space<semaphore_mem>>
    %dma_start3A_91 = tpu.memref_squeeze %dma_start3A_90 : memref<1x!tpu.dma_semaphore, #tpu.memory_space<semaphore_mem>> -> memref<!tpu.dma_semaphore, #tpu.memory_space<semaphore_mem>>
    tpu.enqueue_indirect_dma source(%dma_start3A_89 : memref<1000000x32xf32, #tpu.memory_space<hbm>>) target(%dma_start3A_83 : memref<72x32xf32, #tpu.memory_space<vmem>>) offsets(%dma_start3A_86 : memref<72xi32, #tpu.memory_space<vmem>>) semaphore(%dma_start3A_91 : memref<!tpu.dma_semaphore, #tpu.memory_space<semaphore_mem>>)
    %scan3A = arith.constant 0 : i32
    %scan3A_92 = arith.constant 0 : i32
    %scan3A_93 = arith.constant 32 : i32
    %scan3A_94 = arith.addi %scan3A_92, %scan3A_93 : i32
    %scan3A_95 = arith.constant 1 : i32
    scf.for %scan3A_116 = %scan3A_92 to %scan3A_94 step %scan3A_95  : i32 {
      %mul3A_117 = arith.constant 4 : i32
      %mul3A_118 = arith.muli %scan3A_116, %mul3A_117 : i32
      %add3A_119 = arith.constant 0 : i32
      %add3A_120 = arith.addi %mul3A_118, %add3A_119 : i32
      %dma_wait3A_121 = arith.constant 0 : i32
      %dma_wait3A_122 = arith.constant 0 : i32
      %dma_wait3A_123 = arith.constant 0 : i32
      %dma_wait3A_124 = arith.constant 0 : i32
      %dma_wait3A_125 = tpu.memref_slice %arg6[%dma_wait3A_121, %dma_wait3A_123, %dma_wait3A_124] : memref<4x200x32xf32, #tpu.memory_space<vmem>> -> memref<1x128x32xf32, #tpu.memory_space<vmem>>
      %dma_wait3A_126 = tpu.memref_squeeze %dma_wait3A_125 : memref<1x128x32xf32, #tpu.memory_space<vmem>> -> memref<128x32xf32, #tpu.memory_space<vmem>>
      %dma_wait3A_127 = arith.constant 0 : i32
      %dma_wait3A_128 = tpu.memref_slice %arg5[%add3A_120, %dma_wait3A_127] : memref<128x200xi32, #tpu.memory_space<vmem>> -> memref<1x128xi32, #tpu.memory_space<vmem>>
      %dma_wait3A_129 = tpu.memref_squeeze %dma_wait3A_128 : memref<1x128xi32, #tpu.memory_space<vmem>> -> memref<128xi32, #tpu.memory_space<vmem>>
      %dma_wait3A_130 = arith.constant 0 : i32
      %dma_wait3A_131 = arith.constant 0 : i32
      %dma_wait3A_132 = tpu.memref_slice %arg3[%dma_wait3A_130, %dma_wait3A_131] : memref<1000000x32xf32, #tpu.memory_space<hbm>> -> memref<1000000x32xf32, #tpu.memory_space<hbm>>
      %dma_wait3A_133 = tpu.memref_slice %arg7[%dma_wait3A_122] : memref<4x!tpu.dma_semaphore, #tpu.memory_space<semaphore_mem>> -> memref<1x!tpu.dma_semaphore, #tpu.memory_space<semaphore_mem>>
      %dma_wait3A_134 = tpu.memref_squeeze %dma_wait3A_133 : memref<1x!tpu.dma_semaphore, #tpu.memory_space<semaphore_mem>> -> memref<!tpu.dma_semaphore, #tpu.memory_space<semaphore_mem>>
      tpu.wait_indirect_dma semaphore(%dma_wait3A_134 : memref<!tpu.dma_semaphore, #tpu.memory_space<semaphore_mem>>) src(%dma_wait3A_132 : memref<1000000x32xf32, #tpu.memory_space<hbm>>) dst(%dma_wait3A_126 : memref<128x32xf32, #tpu.memory_space<vmem>>)
      %dma_wait3A_135 = arith.constant 0 : i32
      %dma_wait3A_136 = arith.constant 0 : i32
      %dma_wait3A_137 = arith.constant 128 : i32
      %dma_wait3A_138 = arith.constant 0 : i32
      %dma_wait3A_139 = tpu.memref_slice %arg6[%dma_wait3A_135, %dma_wait3A_137, %dma_wait3A_138] : memref<4x200x32xf32, #tpu.memory_space<vmem>> -> memref<1x72x32xf32, #tpu.memory_space<vmem>>
      %dma_wait3A_140 = tpu.memref_squeeze %dma_wait3A_139 : memref<1x72x32xf32, #tpu.memory_space<vmem>> -> memref<72x32xf32, #tpu.memory_space<vmem>>
      %dma_wait3A_141 = arith.constant 128 : i32
      %dma_wait3A_142 = tpu.memref_slice %arg5[%add3A_120, %dma_wait3A_141] : memref<128x200xi32, #tpu.memory_space<vmem>> -> memref<1x72xi32, #tpu.memory_space<vmem>>
      %dma_wait3A_143 = tpu.memref_squeeze %dma_wait3A_142 : memref<1x72xi32, #tpu.memory_space<vmem>> -> memref<72xi32, #tpu.memory_space<vmem>>
      %dma_wait3A_144 = arith.constant 0 : i32
      %dma_wait3A_145 = arith.constant 0 : i32
      %dma_wait3A_146 = tpu.memref_slice %arg3[%dma_wait3A_144, %dma_wait3A_145] : memref<1000000x32xf32, #tpu.memory_space<hbm>> -> memref<1000000x32xf32, #tpu.memory_space<hbm>>
      %dma_wait3A_147 = tpu.memref_slice %arg7[%dma_wait3A_136] : memref<4x!tpu.dma_semaphore, #tpu.memory_space<semaphore_mem>> -> memref<1x!tpu.dma_semaphore, #tpu.memory_space<semaphore_mem>>
      %dma_wait3A_148 = tpu.memref_squeeze %dma_wait3A_147 : memref<1x!tpu.dma_semaphore, #tpu.memory_space<semaphore_mem>> -> memref<!tpu.dma_semaphore, #tpu.memory_space<semaphore_mem>>
      tpu.wait_indirect_dma semaphore(%dma_wait3A_148 : memref<!tpu.dma_semaphore, #tpu.memory_space<semaphore_mem>>) src(%dma_wait3A_146 : memref<1000000x32xf32, #tpu.memory_space<hbm>>) dst(%dma_wait3A_140 : memref<72x32xf32, #tpu.memory_space<vmem>>)
      %add3A_149 = arith.addi %mul3A_2, %add3A_120 : i32
      %mul3A_150 = arith.constant 200 : i32
      %mul3A_151 = arith.muli %add3A_149, %mul3A_150 : i32
      %dma_start3A_152 = arith.constant 0 : i32
      %dma_start3A_153 = arith.constant 0 : i32
      %dma_start3A_154 = arith.constant 0 : i32
      %dma_start3A_155 = arith.constant 0 : i32
      %dma_start3A_156 = tpu.memref_slice %arg6[%dma_start3A_152, %dma_start3A_154, %dma_start3A_155] : memref<4x200x32xf32, #tpu.memory_space<vmem>> -> memref<1x200x32xf32, #tpu.memory_space<vmem>>
      %dma_start3A_157 = tpu.memref_squeeze %dma_start3A_156 : memref<1x200x32xf32, #tpu.memory_space<vmem>> -> memref<200x32xf32, #tpu.memory_space<vmem>>
      %dma_start3A_158 = arith.constant 0 : i32
      %dma_start3A_159 = tpu.memref_slice %arg4[%mul3A_151, %dma_start3A_158] : memref<819200x32xf32, #tpu.memory_space<hbm>> -> memref<200x32xf32, #tpu.memory_space<hbm>>
      %dma_start3A_160 = tpu.memref_slice %arg8[%dma_start3A_153] : memref<4x!tpu.dma_semaphore, #tpu.memory_space<semaphore_mem>> -> memref<1x!tpu.dma_semaphore, #tpu.memory_space<semaphore_mem>>
      %dma_start3A_161 = tpu.memref_squeeze %dma_start3A_160 : memref<1x!tpu.dma_semaphore, #tpu.memory_space<semaphore_mem>> -> memref<!tpu.dma_semaphore, #tpu.memory_space<semaphore_mem>>
      %dma_start3A_162 = arith.constant 0 : i32
      %dma_start3A_163 = tpu.memref_slice %arg4[%mul3A_151, %dma_start3A_162] : memref<819200x32xf32, #tpu.memory_space<hbm>> -> memref<200x32xf32, #tpu.memory_space<hbm>>
      %dma_start3A_164 = arith.constant 0 : i32
      %dma_start3A_165 = arith.constant 0 : i32
      %dma_start3A_166 = tpu.memref_slice %arg6[%dma_start3A_152, %dma_start3A_164, %dma_start3A_165] : memref<4x200x32xf32, #tpu.memory_space<vmem>> -> memref<1x200x32xf32, #tpu.memory_space<vmem>>
      %dma_start3A_167 = tpu.memref_squeeze %dma_start3A_166 : memref<1x200x32xf32, #tpu.memory_space<vmem>> -> memref<200x32xf32, #tpu.memory_space<vmem>>
      tpu.enqueue_dma source(%dma_start3A_167 : memref<200x32xf32, #tpu.memory_space<vmem>>) target(%dma_start3A_163 : memref<200x32xf32, #tpu.memory_space<hbm>>) target_semaphore(%dma_start3A_161 : memref<!tpu.dma_semaphore, #tpu.memory_space<semaphore_mem>>)
      %ge3A = arith.constant 1 : i32
      %ge3A_168 = arith.cmpi sge, %add3A_120, %ge3A : i32
      %convert_element_type3A = arith.extui %ge3A_168 : i1 to i32
      %cond3A = arith.constant 0 : i32
      %cond3A_169 = arith.cmpi ne, %convert_element_type3A, %cond3A : i32
      scf.if %cond3A_169 {
        %sub3A_372 = arith.constant 1 : i32
        %sub3A_373 = arith.subi %add3A_120, %sub3A_372 : i32
        %add3A_374 = arith.addi %mul3A_2, %sub3A_373 : i32
        %mul3A_375 = arith.constant 200 : i32
        %mul3A_376 = arith.muli %add3A_374, %mul3A_375 : i32
        %dma_wait3A_377 = arith.constant 3 : i32
        %dma_wait3A_378 = arith.constant 3 : i32
        %dma_wait3A_379 = arith.constant 0 : i32
        %dma_wait3A_380 = arith.constant 0 : i32
        %dma_wait3A_381 = tpu.memref_slice %arg6[%dma_wait3A_377, %dma_wait3A_379, %dma_wait3A_380] : memref<4x200x32xf32, #tpu.memory_space<vmem>> -> memref<1x200x32xf32, #tpu.memory_space<vmem>>
        %dma_wait3A_382 = tpu.memref_squeeze %dma_wait3A_381 : memref<1x200x32xf32, #tpu.memory_space<vmem>> -> memref<200x32xf32, #tpu.memory_space<vmem>>
        %dma_wait3A_383 = arith.constant 0 : i32
        %dma_wait3A_384 = tpu.memref_slice %arg4[%mul3A_376, %dma_wait3A_383] : memref<819200x32xf32, #tpu.memory_space<hbm>> -> memref<200x32xf32, #tpu.memory_space<hbm>>
        %dma_wait3A_385 = tpu.memref_slice %arg8[%dma_wait3A_378] : memref<4x!tpu.dma_semaphore, #tpu.memory_space<semaphore_mem>> -> memref<1x!tpu.dma_semaphore, #tpu.memory_space<semaphore_mem>>
        %dma_wait3A_386 = tpu.memref_squeeze %dma_wait3A_385 : memref<1x!tpu.dma_semaphore, #tpu.memory_space<semaphore_mem>> -> memref<!tpu.dma_semaphore, #tpu.memory_space<semaphore_mem>>
        %dma_wait3A_387 = arith.constant 0 : i32
        %dma_wait3A_388 = tpu.memref_slice %arg4[%mul3A_376, %dma_wait3A_387] : memref<819200x32xf32, #tpu.memory_space<hbm>> -> memref<200x32xf32, #tpu.memory_space<hbm>>
        %dma_wait3A_389 = arith.constant 0 : i32
        %dma_wait3A_390 = arith.constant 0 : i32
        %dma_wait3A_391 = tpu.memref_slice %arg6[%dma_wait3A_377, %dma_wait3A_389, %dma_wait3A_390] : memref<4x200x32xf32, #tpu.memory_space<vmem>> -> memref<1x200x32xf32, #tpu.memory_space<vmem>>
        %dma_wait3A_392 = tpu.memref_squeeze %dma_wait3A_391 : memref<1x200x32xf32, #tpu.memory_space<vmem>> -> memref<200x32xf32, #tpu.memory_space<vmem>>
        tpu.wait_dma2 semaphore(%dma_wait3A_386 : memref<!tpu.dma_semaphore, #tpu.memory_space<semaphore_mem>>) src(%dma_wait3A_392 : memref<200x32xf32, #tpu.memory_space<vmem>>) dst(%dma_wait3A_388 : memref<200x32xf32, #tpu.memory_space<hbm>>)
      } else {
      }
      %add3A_170 = arith.constant 4 : i32
      %add3A_171 = arith.addi %add3A_120, %add3A_170 : i32
      %sub3A = arith.constant 1 : i32
      %sub3A_172 = arith.subi %add3A_171, %sub3A : i32
      %lt3A = arith.constant 128 : i32
      %lt3A_173 = arith.cmpi slt, %sub3A_172, %lt3A : i32
      %convert_element_type3A_174 = arith.extui %lt3A_173 : i1 to i32
      %cond3A_175 = arith.constant 0 : i32
      %cond3A_176 = arith.cmpi ne, %convert_element_type3A_174, %cond3A_175 : i32
      scf.if %cond3A_176 {
        %add3A_372 = arith.constant 4 : i32
        %add3A_373 = arith.addi %add3A_120, %add3A_372 : i32
        %sub3A_374 = arith.constant 1 : i32
        %sub3A_375 = arith.subi %add3A_373, %sub3A_374 : i32
        %dma_start3A_376 = arith.constant 3 : i32
        %dma_start3A_377 = arith.constant 3 : i32
        %dma_start3A_378 = arith.constant 0 : i32
        %dma_start3A_379 = arith.constant 0 : i32
        %dma_start3A_380 = tpu.memref_slice %arg6[%dma_start3A_376, %dma_start3A_378, %dma_start3A_379] : memref<4x200x32xf32, #tpu.memory_space<vmem>> -> memref<1x128x32xf32, #tpu.memory_space<vmem>>
        %dma_start3A_381 = tpu.memref_squeeze %dma_start3A_380 : memref<1x128x32xf32, #tpu.memory_space<vmem>> -> memref<128x32xf32, #tpu.memory_space<vmem>>
        %dma_start3A_382 = arith.constant 0 : i32
        %dma_start3A_383 = tpu.memref_slice %arg5[%sub3A_375, %dma_start3A_382] : memref<128x200xi32, #tpu.memory_space<vmem>> -> memref<1x128xi32, #tpu.memory_space<vmem>>
        %dma_start3A_384 = tpu.memref_squeeze %dma_start3A_383 : memref<1x128xi32, #tpu.memory_space<vmem>> -> memref<128xi32, #tpu.memory_space<vmem>>
        %dma_start3A_385 = arith.constant 0 : i32
        %dma_start3A_386 = arith.constant 0 : i32
        %dma_start3A_387 = tpu.memref_slice %arg3[%dma_start3A_385, %dma_start3A_386] : memref<1000000x32xf32, #tpu.memory_space<hbm>> -> memref<1000000x32xf32, #tpu.memory_space<hbm>>
        %dma_start3A_388 = tpu.memref_slice %arg7[%dma_start3A_377] : memref<4x!tpu.dma_semaphore, #tpu.memory_space<semaphore_mem>> -> memref<1x!tpu.dma_semaphore, #tpu.memory_space<semaphore_mem>>
        %dma_start3A_389 = tpu.memref_squeeze %dma_start3A_388 : memref<1x!tpu.dma_semaphore, #tpu.memory_space<semaphore_mem>> -> memref<!tpu.dma_semaphore, #tpu.memory_space<semaphore_mem>>
        tpu.enqueue_indirect_dma source(%dma_start3A_387 : memref<1000000x32xf32, #tpu.memory_space<hbm>>) target(%dma_start3A_381 : memref<128x32xf32, #tpu.memory_space<vmem>>) offsets(%dma_start3A_384 : memref<128xi32, #tpu.memory_space<vmem>>) semaphore(%dma_start3A_389 : memref<!tpu.dma_semaphore, #tpu.memory_space<semaphore_mem>>)
        %dma_start3A_390 = arith.constant 3 : i32
        %dma_start3A_391 = arith.constant 3 : i32
        %dma_start3A_392 = arith.constant 128 : i32
        %dma_start3A_393 = arith.constant 0 : i32
        %dma_start3A_394 = tpu.memref_slice %arg6[%dma_start3A_390, %dma_start3A_392, %dma_start3A_393] : memref<4x200x32xf32, #tpu.memory_space<vmem>> -> memref<1x72x32xf32, #tpu.memory_space<vmem>>
        %dma_start3A_395 = tpu.memref_squeeze %dma_start3A_394 : memref<1x72x32xf32, #tpu.memory_space<vmem>> -> memref<72x32xf32, #tpu.memory_space<vmem>>
        %dma_start3A_396 = arith.constant 128 : i32
        %dma_start3A_397 = tpu.memref_slice %arg5[%sub3A_375, %dma_start3A_396] : memref<128x200xi32, #tpu.memory_space<vmem>> -> memref<1x72xi32, #tpu.memory_space<vmem>>
        %dma_start3A_398 = tpu.memref_squeeze %dma_start3A_397 : memref<1x72xi32, #tpu.memory_space<vmem>> -> memref<72xi32, #tpu.memory_space<vmem>>
        %dma_start3A_399 = arith.constant 0 : i32
        %dma_start3A_400 = arith.constant 0 : i32
        %dma_start3A_401 = tpu.memref_slice %arg3[%dma_start3A_399, %dma_start3A_400] : memref<1000000x32xf32, #tpu.memory_space<hbm>> -> memref<1000000x32xf32, #tpu.memory_space<hbm>>
        %dma_start3A_402 = tpu.memref_slice %arg7[%dma_start3A_391] : memref<4x!tpu.dma_semaphore, #tpu.memory_space<semaphore_mem>> -> memref<1x!tpu.dma_semaphore, #tpu.memory_space<semaphore_mem>>
        %dma_start3A_403 = tpu.memref_squeeze %dma_start3A_402 : memref<1x!tpu.dma_semaphore, #tpu.memory_space<semaphore_mem>> -> memref<!tpu.dma_semaphore, #tpu.memory_space<semaphore_mem>>
        tpu.enqueue_indirect_dma source(%dma_start3A_401 : memref<1000000x32xf32, #tpu.memory_space<hbm>>) target(%dma_start3A_395 : memref<72x32xf32, #tpu.memory_space<vmem>>) offsets(%dma_start3A_398 : memref<72xi32, #tpu.memory_space<vmem>>) semaphore(%dma_start3A_403 : memref<!tpu.dma_semaphore, #tpu.memory_space<semaphore_mem>>)
      } else {
      }
      %mul3A_177 = arith.constant 4 : i32
      %mul3A_178 = arith.muli %scan3A_116, %mul3A_177 : i32
      %add3A_179 = arith.constant 1 : i32
      %add3A_180 = arith.addi %mul3A_178, %add3A_179 : i32
      %dma_wait3A_181 = arith.constant 1 : i32
      %dma_wait3A_182 = arith.constant 1 : i32
      %dma_wait3A_183 = arith.constant 0 : i32
      %dma_wait3A_184 = arith.constant 0 : i32
      %dma_wait3A_185 = tpu.memref_slice %arg6[%dma_wait3A_181, %dma_wait3A_183, %dma_wait3A_184] : memref<4x200x32xf32, #tpu.memory_space<vmem>> -> memref<1x128x32xf32, #tpu.memory_space<vmem>>
      %dma_wait3A_186 = tpu.memref_squeeze %dma_wait3A_185 : memref<1x128x32xf32, #tpu.memory_space<vmem>> -> memref<128x32xf32, #tpu.memory_space<vmem>>
      %dma_wait3A_187 = arith.constant 0 : i32
      %dma_wait3A_188 = tpu.memref_slice %arg5[%add3A_180, %dma_wait3A_187] : memref<128x200xi32, #tpu.memory_space<vmem>> -> memref<1x128xi32, #tpu.memory_space<vmem>>
      %dma_wait3A_189 = tpu.memref_squeeze %dma_wait3A_188 : memref<1x128xi32, #tpu.memory_space<vmem>> -> memref<128xi32, #tpu.memory_space<vmem>>
      %dma_wait3A_190 = arith.constant 0 : i32
      %dma_wait3A_191 = arith.constant 0 : i32
      %dma_wait3A_192 = tpu.memref_slice %arg3[%dma_wait3A_190, %dma_wait3A_191] : memref<1000000x32xf32, #tpu.memory_space<hbm>> -> memref<1000000x32xf32, #tpu.memory_space<hbm>>
      %dma_wait3A_193 = tpu.memref_slice %arg7[%dma_wait3A_182] : memref<4x!tpu.dma_semaphore, #tpu.memory_space<semaphore_mem>> -> memref<1x!tpu.dma_semaphore, #tpu.memory_space<semaphore_mem>>
      %dma_wait3A_194 = tpu.memref_squeeze %dma_wait3A_193 : memref<1x!tpu.dma_semaphore, #tpu.memory_space<semaphore_mem>> -> memref<!tpu.dma_semaphore, #tpu.memory_space<semaphore_mem>>
      tpu.wait_indirect_dma semaphore(%dma_wait3A_194 : memref<!tpu.dma_semaphore, #tpu.memory_space<semaphore_mem>>) src(%dma_wait3A_192 : memref<1000000x32xf32, #tpu.memory_space<hbm>>) dst(%dma_wait3A_186 : memref<128x32xf32, #tpu.memory_space<vmem>>)
      %dma_wait3A_195 = arith.constant 1 : i32
      %dma_wait3A_196 = arith.constant 1 : i32
      %dma_wait3A_197 = arith.constant 128 : i32
      %dma_wait3A_198 = arith.constant 0 : i32
      %dma_wait3A_199 = tpu.memref_slice %arg6[%dma_wait3A_195, %dma_wait3A_197, %dma_wait3A_198] : memref<4x200x32xf32, #tpu.memory_space<vmem>> -> memref<1x72x32xf32, #tpu.memory_space<vmem>>
      %dma_wait3A_200 = tpu.memref_squeeze %dma_wait3A_199 : memref<1x72x32xf32, #tpu.memory_space<vmem>> -> memref<72x32xf32, #tpu.memory_space<vmem>>
      %dma_wait3A_201 = arith.constant 128 : i32
      %dma_wait3A_202 = tpu.memref_slice %arg5[%add3A_180, %dma_wait3A_201] : memref<128x200xi32, #tpu.memory_space<vmem>> -> memref<1x72xi32, #tpu.memory_space<vmem>>
      %dma_wait3A_203 = tpu.memref_squeeze %dma_wait3A_202 : memref<1x72xi32, #tpu.memory_space<vmem>> -> memref<72xi32, #tpu.memory_space<vmem>>
      %dma_wait3A_204 = arith.constant 0 : i32
      %dma_wait3A_205 = arith.constant 0 : i32
      %dma_wait3A_206 = tpu.memref_slice %arg3[%dma_wait3A_204, %dma_wait3A_205] : memref<1000000x32xf32, #tpu.memory_space<hbm>> -> memref<1000000x32xf32, #tpu.memory_space<hbm>>
      %dma_wait3A_207 = tpu.memref_slice %arg7[%dma_wait3A_196] : memref<4x!tpu.dma_semaphore, #tpu.memory_space<semaphore_mem>> -> memref<1x!tpu.dma_semaphore, #tpu.memory_space<semaphore_mem>>
      %dma_wait3A_208 = tpu.memref_squeeze %dma_wait3A_207 : memref<1x!tpu.dma_semaphore, #tpu.memory_space<semaphore_mem>> -> memref<!tpu.dma_semaphore, #tpu.memory_space<semaphore_mem>>
      tpu.wait_indirect_dma semaphore(%dma_wait3A_208 : memref<!tpu.dma_semaphore, #tpu.memory_space<semaphore_mem>>) src(%dma_wait3A_206 : memref<1000000x32xf32, #tpu.memory_space<hbm>>) dst(%dma_wait3A_200 : memref<72x32xf32, #tpu.memory_space<vmem>>)
      %add3A_209 = arith.addi %mul3A_2, %add3A_180 : i32
      %mul3A_210 = arith.constant 200 : i32
      %mul3A_211 = arith.muli %add3A_209, %mul3A_210 : i32
      %dma_start3A_212 = arith.constant 1 : i32
      %dma_start3A_213 = arith.constant 1 : i32
      %dma_start3A_214 = arith.constant 0 : i32
      %dma_start3A_215 = arith.constant 0 : i32
      %dma_start3A_216 = tpu.memref_slice %arg6[%dma_start3A_212, %dma_start3A_214, %dma_start3A_215] : memref<4x200x32xf32, #tpu.memory_space<vmem>> -> memref<1x200x32xf32, #tpu.memory_space<vmem>>
      %dma_start3A_217 = tpu.memref_squeeze %dma_start3A_216 : memref<1x200x32xf32, #tpu.memory_space<vmem>> -> memref<200x32xf32, #tpu.memory_space<vmem>>
      %dma_start3A_218 = arith.constant 0 : i32
      %dma_start3A_219 = tpu.memref_slice %arg4[%mul3A_211, %dma_start3A_218] : memref<819200x32xf32, #tpu.memory_space<hbm>> -> memref<200x32xf32, #tpu.memory_space<hbm>>
      %dma_start3A_220 = tpu.memref_slice %arg8[%dma_start3A_213] : memref<4x!tpu.dma_semaphore, #tpu.memory_space<semaphore_mem>> -> memref<1x!tpu.dma_semaphore, #tpu.memory_space<semaphore_mem>>
      %dma_start3A_221 = tpu.memref_squeeze %dma_start3A_220 : memref<1x!tpu.dma_semaphore, #tpu.memory_space<semaphore_mem>> -> memref<!tpu.dma_semaphore, #tpu.memory_space<semaphore_mem>>
      %dma_start3A_222 = arith.constant 0 : i32
      %dma_start3A_223 = tpu.memref_slice %arg4[%mul3A_211, %dma_start3A_222] : memref<819200x32xf32, #tpu.memory_space<hbm>> -> memref<200x32xf32, #tpu.memory_space<hbm>>
      %dma_start3A_224 = arith.constant 0 : i32
      %dma_start3A_225 = arith.constant 0 : i32
      %dma_start3A_226 = tpu.memref_slice %arg6[%dma_start3A_212, %dma_start3A_224, %dma_start3A_225] : memref<4x200x32xf32, #tpu.memory_space<vmem>> -> memref<1x200x32xf32, #tpu.memory_space<vmem>>
      %dma_start3A_227 = tpu.memref_squeeze %dma_start3A_226 : memref<1x200x32xf32, #tpu.memory_space<vmem>> -> memref<200x32xf32, #tpu.memory_space<vmem>>
      tpu.enqueue_dma source(%dma_start3A_227 : memref<200x32xf32, #tpu.memory_space<vmem>>) target(%dma_start3A_223 : memref<200x32xf32, #tpu.memory_space<hbm>>) target_semaphore(%dma_start3A_221 : memref<!tpu.dma_semaphore, #tpu.memory_space<semaphore_mem>>)
      %ge3A_228 = arith.constant 1 : i32
      %ge3A_229 = arith.cmpi sge, %add3A_180, %ge3A_228 : i32
      %convert_element_type3A_230 = arith.extui %ge3A_229 : i1 to i32
      %cond3A_231 = arith.constant 0 : i32
      %cond3A_232 = arith.cmpi ne, %convert_element_type3A_230, %cond3A_231 : i32
      scf.if %cond3A_232 {
        %sub3A_372 = arith.constant 1 : i32
        %sub3A_373 = arith.subi %add3A_180, %sub3A_372 : i32
        %add3A_374 = arith.addi %mul3A_2, %sub3A_373 : i32
        %mul3A_375 = arith.constant 200 : i32
        %mul3A_376 = arith.muli %add3A_374, %mul3A_375 : i32
        %dma_wait3A_377 = arith.constant 0 : i32
        %dma_wait3A_378 = arith.constant 0 : i32
        %dma_wait3A_379 = arith.constant 0 : i32
        %dma_wait3A_380 = arith.constant 0 : i32
        %dma_wait3A_381 = tpu.memref_slice %arg6[%dma_wait3A_377, %dma_wait3A_379, %dma_wait3A_380] : memref<4x200x32xf32, #tpu.memory_space<vmem>> -> memref<1x200x32xf32, #tpu.memory_space<vmem>>
        %dma_wait3A_382 = tpu.memref_squeeze %dma_wait3A_381 : memref<1x200x32xf32, #tpu.memory_space<vmem>> -> memref<200x32xf32, #tpu.memory_space<vmem>>
        %dma_wait3A_383 = arith.constant 0 : i32
        %dma_wait3A_384 = tpu.memref_slice %arg4[%mul3A_376, %dma_wait3A_383] : memref<819200x32xf32, #tpu.memory_space<hbm>> -> memref<200x32xf32, #tpu.memory_space<hbm>>
        %dma_wait3A_385 = tpu.memref_slice %arg8[%dma_wait3A_378] : memref<4x!tpu.dma_semaphore, #tpu.memory_space<semaphore_mem>> -> memref<1x!tpu.dma_semaphore, #tpu.memory_space<semaphore_mem>>
        %dma_wait3A_386 = tpu.memref_squeeze %dma_wait3A_385 : memref<1x!tpu.dma_semaphore, #tpu.memory_space<semaphore_mem>> -> memref<!tpu.dma_semaphore, #tpu.memory_space<semaphore_mem>>
        %dma_wait3A_387 = arith.constant 0 : i32
        %dma_wait3A_388 = tpu.memref_slice %arg4[%mul3A_376, %dma_wait3A_387] : memref<819200x32xf32, #tpu.memory_space<hbm>> -> memref<200x32xf32, #tpu.memory_space<hbm>>
        %dma_wait3A_389 = arith.constant 0 : i32
        %dma_wait3A_390 = arith.constant 0 : i32
        %dma_wait3A_391 = tpu.memref_slice %arg6[%dma_wait3A_377, %dma_wait3A_389, %dma_wait3A_390] : memref<4x200x32xf32, #tpu.memory_space<vmem>> -> memref<1x200x32xf32, #tpu.memory_space<vmem>>
        %dma_wait3A_392 = tpu.memref_squeeze %dma_wait3A_391 : memref<1x200x32xf32, #tpu.memory_space<vmem>> -> memref<200x32xf32, #tpu.memory_space<vmem>>
        tpu.wait_dma2 semaphore(%dma_wait3A_386 : memref<!tpu.dma_semaphore, #tpu.memory_space<semaphore_mem>>) src(%dma_wait3A_392 : memref<200x32xf32, #tpu.memory_space<vmem>>) dst(%dma_wait3A_388 : memref<200x32xf32, #tpu.memory_space<hbm>>)
      } else {
      }
      %add3A_233 = arith.constant 4 : i32
      %add3A_234 = arith.addi %add3A_180, %add3A_233 : i32
      %sub3A_235 = arith.constant 1 : i32
      %sub3A_236 = arith.subi %add3A_234, %sub3A_235 : i32
      %lt3A_237 = arith.constant 128 : i32
      %lt3A_238 = arith.cmpi slt, %sub3A_236, %lt3A_237 : i32
      %convert_element_type3A_239 = arith.extui %lt3A_238 : i1 to i32
      %cond3A_240 = arith.constant 0 : i32
      %cond3A_241 = arith.cmpi ne, %convert_element_type3A_239, %cond3A_240 : i32
      scf.if %cond3A_241 {
        %add3A_372 = arith.constant 4 : i32
        %add3A_373 = arith.addi %add3A_180, %add3A_372 : i32
        %sub3A_374 = arith.constant 1 : i32
        %sub3A_375 = arith.subi %add3A_373, %sub3A_374 : i32
        %dma_start3A_376 = arith.constant 0 : i32
        %dma_start3A_377 = arith.constant 0 : i32
        %dma_start3A_378 = arith.constant 0 : i32
        %dma_start3A_379 = arith.constant 0 : i32
        %dma_start3A_380 = tpu.memref_slice %arg6[%dma_start3A_376, %dma_start3A_378, %dma_start3A_379] : memref<4x200x32xf32, #tpu.memory_space<vmem>> -> memref<1x128x32xf32, #tpu.memory_space<vmem>>
        %dma_start3A_381 = tpu.memref_squeeze %dma_start3A_380 : memref<1x128x32xf32, #tpu.memory_space<vmem>> -> memref<128x32xf32, #tpu.memory_space<vmem>>
        %dma_start3A_382 = arith.constant 0 : i32
        %dma_start3A_383 = tpu.memref_slice %arg5[%sub3A_375, %dma_start3A_382] : memref<128x200xi32, #tpu.memory_space<vmem>> -> memref<1x128xi32, #tpu.memory_space<vmem>>
        %dma_start3A_384 = tpu.memref_squeeze %dma_start3A_383 : memref<1x128xi32, #tpu.memory_space<vmem>> -> memref<128xi32, #tpu.memory_space<vmem>>
        %dma_start3A_385 = arith.constant 0 : i32
        %dma_start3A_386 = arith.constant 0 : i32
        %dma_start3A_387 = tpu.memref_slice %arg3[%dma_start3A_385, %dma_start3A_386] : memref<1000000x32xf32, #tpu.memory_space<hbm>> -> memref<1000000x32xf32, #tpu.memory_space<hbm>>
        %dma_start3A_388 = tpu.memref_slice %arg7[%dma_start3A_377] : memref<4x!tpu.dma_semaphore, #tpu.memory_space<semaphore_mem>> -> memref<1x!tpu.dma_semaphore, #tpu.memory_space<semaphore_mem>>
        %dma_start3A_389 = tpu.memref_squeeze %dma_start3A_388 : memref<1x!tpu.dma_semaphore, #tpu.memory_space<semaphore_mem>> -> memref<!tpu.dma_semaphore, #tpu.memory_space<semaphore_mem>>
        tpu.enqueue_indirect_dma source(%dma_start3A_387 : memref<1000000x32xf32, #tpu.memory_space<hbm>>) target(%dma_start3A_381 : memref<128x32xf32, #tpu.memory_space<vmem>>) offsets(%dma_start3A_384 : memref<128xi32, #tpu.memory_space<vmem>>) semaphore(%dma_start3A_389 : memref<!tpu.dma_semaphore, #tpu.memory_space<semaphore_mem>>)
        %dma_start3A_390 = arith.constant 0 : i32
        %dma_start3A_391 = arith.constant 0 : i32
        %dma_start3A_392 = arith.constant 128 : i32
        %dma_start3A_393 = arith.constant 0 : i32
        %dma_start3A_394 = tpu.memref_slice %arg6[%dma_start3A_390, %dma_start3A_392, %dma_start3A_393] : memref<4x200x32xf32, #tpu.memory_space<vmem>> -> memref<1x72x32xf32, #tpu.memory_space<vmem>>
        %dma_start3A_395 = tpu.memref_squeeze %dma_start3A_394 : memref<1x72x32xf32, #tpu.memory_space<vmem>> -> memref<72x32xf32, #tpu.memory_space<vmem>>
        %dma_start3A_396 = arith.constant 128 : i32
        %dma_start3A_397 = tpu.memref_slice %arg5[%sub3A_375, %dma_start3A_396] : memref<128x200xi32, #tpu.memory_space<vmem>> -> memref<1x72xi32, #tpu.memory_space<vmem>>
        %dma_start3A_398 = tpu.memref_squeeze %dma_start3A_397 : memref<1x72xi32, #tpu.memory_space<vmem>> -> memref<72xi32, #tpu.memory_space<vmem>>
        %dma_start3A_399 = arith.constant 0 : i32
        %dma_start3A_400 = arith.constant 0 : i32
        %dma_start3A_401 = tpu.memref_slice %arg3[%dma_start3A_399, %dma_start3A_400] : memref<1000000x32xf32, #tpu.memory_space<hbm>> -> memref<1000000x32xf32, #tpu.memory_space<hbm>>
        %dma_start3A_402 = tpu.memref_slice %arg7[%dma_start3A_391] : memref<4x!tpu.dma_semaphore, #tpu.memory_space<semaphore_mem>> -> memref<1x!tpu.dma_semaphore, #tpu.memory_space<semaphore_mem>>
        %dma_start3A_403 = tpu.memref_squeeze %dma_start3A_402 : memref<1x!tpu.dma_semaphore, #tpu.memory_space<semaphore_mem>> -> memref<!tpu.dma_semaphore, #tpu.memory_space<semaphore_mem>>
        tpu.enqueue_indirect_dma source(%dma_start3A_401 : memref<1000000x32xf32, #tpu.memory_space<hbm>>) target(%dma_start3A_395 : memref<72x32xf32, #tpu.memory_space<vmem>>) offsets(%dma_start3A_398 : memref<72xi32, #tpu.memory_space<vmem>>) semaphore(%dma_start3A_403 : memref<!tpu.dma_semaphore, #tpu.memory_space<semaphore_mem>>)
      } else {
      }
      %mul3A_242 = arith.constant 4 : i32
      %mul3A_243 = arith.muli %scan3A_116, %mul3A_242 : i32
      %add3A_244 = arith.constant 2 : i32
      %add3A_245 = arith.addi %mul3A_243, %add3A_244 : i32
      %dma_wait3A_246 = arith.constant 2 : i32
      %dma_wait3A_247 = arith.constant 2 : i32
      %dma_wait3A_248 = arith.constant 0 : i32
      %dma_wait3A_249 = arith.constant 0 : i32
      %dma_wait3A_250 = tpu.memref_slice %arg6[%dma_wait3A_246, %dma_wait3A_248, %dma_wait3A_249] : memref<4x200x32xf32, #tpu.memory_space<vmem>> -> memref<1x128x32xf32, #tpu.memory_space<vmem>>
      %dma_wait3A_251 = tpu.memref_squeeze %dma_wait3A_250 : memref<1x128x32xf32, #tpu.memory_space<vmem>> -> memref<128x32xf32, #tpu.memory_space<vmem>>
      %dma_wait3A_252 = arith.constant 0 : i32
      %dma_wait3A_253 = tpu.memref_slice %arg5[%add3A_245, %dma_wait3A_252] : memref<128x200xi32, #tpu.memory_space<vmem>> -> memref<1x128xi32, #tpu.memory_space<vmem>>
      %dma_wait3A_254 = tpu.memref_squeeze %dma_wait3A_253 : memref<1x128xi32, #tpu.memory_space<vmem>> -> memref<128xi32, #tpu.memory_space<vmem>>
      %dma_wait3A_255 = arith.constant 0 : i32
      %dma_wait3A_256 = arith.constant 0 : i32
      %dma_wait3A_257 = tpu.memref_slice %arg3[%dma_wait3A_255, %dma_wait3A_256] : memref<1000000x32xf32, #tpu.memory_space<hbm>> -> memref<1000000x32xf32, #tpu.memory_space<hbm>>
      %dma_wait3A_258 = tpu.memref_slice %arg7[%dma_wait3A_247] : memref<4x!tpu.dma_semaphore, #tpu.memory_space<semaphore_mem>> -> memref<1x!tpu.dma_semaphore, #tpu.memory_space<semaphore_mem>>
      %dma_wait3A_259 = tpu.memref_squeeze %dma_wait3A_258 : memref<1x!tpu.dma_semaphore, #tpu.memory_space<semaphore_mem>> -> memref<!tpu.dma_semaphore, #tpu.memory_space<semaphore_mem>>
      tpu.wait_indirect_dma semaphore(%dma_wait3A_259 : memref<!tpu.dma_semaphore, #tpu.memory_space<semaphore_mem>>) src(%dma_wait3A_257 : memref<1000000x32xf32, #tpu.memory_space<hbm>>) dst(%dma_wait3A_251 : memref<128x32xf32, #tpu.memory_space<vmem>>)
      %dma_wait3A_260 = arith.constant 2 : i32
      %dma_wait3A_261 = arith.constant 2 : i32
      %dma_wait3A_262 = arith.constant 128 : i32
      %dma_wait3A_263 = arith.constant 0 : i32
      %dma_wait3A_264 = tpu.memref_slice %arg6[%dma_wait3A_260, %dma_wait3A_262, %dma_wait3A_263] : memref<4x200x32xf32, #tpu.memory_space<vmem>> -> memref<1x72x32xf32, #tpu.memory_space<vmem>>
      %dma_wait3A_265 = tpu.memref_squeeze %dma_wait3A_264 : memref<1x72x32xf32, #tpu.memory_space<vmem>> -> memref<72x32xf32, #tpu.memory_space<vmem>>
      %dma_wait3A_266 = arith.constant 128 : i32
      %dma_wait3A_267 = tpu.memref_slice %arg5[%add3A_245, %dma_wait3A_266] : memref<128x200xi32, #tpu.memory_space<vmem>> -> memref<1x72xi32, #tpu.memory_space<vmem>>
      %dma_wait3A_268 = tpu.memref_squeeze %dma_wait3A_267 : memref<1x72xi32, #tpu.memory_space<vmem>> -> memref<72xi32, #tpu.memory_space<vmem>>
      %dma_wait3A_269 = arith.constant 0 : i32
      %dma_wait3A_270 = arith.constant 0 : i32
      %dma_wait3A_271 = tpu.memref_slice %arg3[%dma_wait3A_269, %dma_wait3A_270] : memref<1000000x32xf32, #tpu.memory_space<hbm>> -> memref<1000000x32xf32, #tpu.memory_space<hbm>>
      %dma_wait3A_272 = tpu.memref_slice %arg7[%dma_wait3A_261] : memref<4x!tpu.dma_semaphore, #tpu.memory_space<semaphore_mem>> -> memref<1x!tpu.dma_semaphore, #tpu.memory_space<semaphore_mem>>
      %dma_wait3A_273 = tpu.memref_squeeze %dma_wait3A_272 : memref<1x!tpu.dma_semaphore, #tpu.memory_space<semaphore_mem>> -> memref<!tpu.dma_semaphore, #tpu.memory_space<semaphore_mem>>
      tpu.wait_indirect_dma semaphore(%dma_wait3A_273 : memref<!tpu.dma_semaphore, #tpu.memory_space<semaphore_mem>>) src(%dma_wait3A_271 : memref<1000000x32xf32, #tpu.memory_space<hbm>>) dst(%dma_wait3A_265 : memref<72x32xf32, #tpu.memory_space<vmem>>)
      %add3A_274 = arith.addi %mul3A_2, %add3A_245 : i32
      %mul3A_275 = arith.constant 200 : i32
      %mul3A_276 = arith.muli %add3A_274, %mul3A_275 : i32
      %dma_start3A_277 = arith.constant 2 : i32
      %dma_start3A_278 = arith.constant 2 : i32
      %dma_start3A_279 = arith.constant 0 : i32
      %dma_start3A_280 = arith.constant 0 : i32
      %dma_start3A_281 = tpu.memref_slice %arg6[%dma_start3A_277, %dma_start3A_279, %dma_start3A_280] : memref<4x200x32xf32, #tpu.memory_space<vmem>> -> memref<1x200x32xf32, #tpu.memory_space<vmem>>
      %dma_start3A_282 = tpu.memref_squeeze %dma_start3A_281 : memref<1x200x32xf32, #tpu.memory_space<vmem>> -> memref<200x32xf32, #tpu.memory_space<vmem>>
      %dma_start3A_283 = arith.constant 0 : i32
      %dma_start3A_284 = tpu.memref_slice %arg4[%mul3A_276, %dma_start3A_283] : memref<819200x32xf32, #tpu.memory_space<hbm>> -> memref<200x32xf32, #tpu.memory_space<hbm>>
      %dma_start3A_285 = tpu.memref_slice %arg8[%dma_start3A_278] : memref<4x!tpu.dma_semaphore, #tpu.memory_space<semaphore_mem>> -> memref<1x!tpu.dma_semaphore, #tpu.memory_space<semaphore_mem>>
      %dma_start3A_286 = tpu.memref_squeeze %dma_start3A_285 : memref<1x!tpu.dma_semaphore, #tpu.memory_space<semaphore_mem>> -> memref<!tpu.dma_semaphore, #tpu.memory_space<semaphore_mem>>
      %dma_start3A_287 = arith.constant 0 : i32
      %dma_start3A_288 = tpu.memref_slice %arg4[%mul3A_276, %dma_start3A_287] : memref<819200x32xf32, #tpu.memory_space<hbm>> -> memref<200x32xf32, #tpu.memory_space<hbm>>
      %dma_start3A_289 = arith.constant 0 : i32
      %dma_start3A_290 = arith.constant 0 : i32
      %dma_start3A_291 = tpu.memref_slice %arg6[%dma_start3A_277, %dma_start3A_289, %dma_start3A_290] : memref<4x200x32xf32, #tpu.memory_space<vmem>> -> memref<1x200x32xf32, #tpu.memory_space<vmem>>
      %dma_start3A_292 = tpu.memref_squeeze %dma_start3A_291 : memref<1x200x32xf32, #tpu.memory_space<vmem>> -> memref<200x32xf32, #tpu.memory_space<vmem>>
      tpu.enqueue_dma source(%dma_start3A_292 : memref<200x32xf32, #tpu.memory_space<vmem>>) target(%dma_start3A_288 : memref<200x32xf32, #tpu.memory_space<hbm>>) target_semaphore(%dma_start3A_286 : memref<!tpu.dma_semaphore, #tpu.memory_space<semaphore_mem>>)
      %ge3A_293 = arith.constant 1 : i32
      %ge3A_294 = arith.cmpi sge, %add3A_245, %ge3A_293 : i32
      %convert_element_type3A_295 = arith.extui %ge3A_294 : i1 to i32
      %cond3A_296 = arith.constant 0 : i32
      %cond3A_297 = arith.cmpi ne, %convert_element_type3A_295, %cond3A_296 : i32
      scf.if %cond3A_297 {
        %sub3A_372 = arith.constant 1 : i32
        %sub3A_373 = arith.subi %add3A_245, %sub3A_372 : i32
        %add3A_374 = arith.addi %mul3A_2, %sub3A_373 : i32
        %mul3A_375 = arith.constant 200 : i32
        %mul3A_376 = arith.muli %add3A_374, %mul3A_375 : i32
        %dma_wait3A_377 = arith.constant 1 : i32
        %dma_wait3A_378 = arith.constant 1 : i32
        %dma_wait3A_379 = arith.constant 0 : i32
        %dma_wait3A_380 = arith.constant 0 : i32
        %dma_wait3A_381 = tpu.memref_slice %arg6[%dma_wait3A_377, %dma_wait3A_379, %dma_wait3A_380] : memref<4x200x32xf32, #tpu.memory_space<vmem>> -> memref<1x200x32xf32, #tpu.memory_space<vmem>>
        %dma_wait3A_382 = tpu.memref_squeeze %dma_wait3A_381 : memref<1x200x32xf32, #tpu.memory_space<vmem>> -> memref<200x32xf32, #tpu.memory_space<vmem>>
        %dma_wait3A_383 = arith.constant 0 : i32
        %dma_wait3A_384 = tpu.memref_slice %arg4[%mul3A_376, %dma_wait3A_383] : memref<819200x32xf32, #tpu.memory_space<hbm>> -> memref<200x32xf32, #tpu.memory_space<hbm>>
        %dma_wait3A_385 = tpu.memref_slice %arg8[%dma_wait3A_378] : memref<4x!tpu.dma_semaphore, #tpu.memory_space<semaphore_mem>> -> memref<1x!tpu.dma_semaphore, #tpu.memory_space<semaphore_mem>>
        %dma_wait3A_386 = tpu.memref_squeeze %dma_wait3A_385 : memref<1x!tpu.dma_semaphore, #tpu.memory_space<semaphore_mem>> -> memref<!tpu.dma_semaphore, #tpu.memory_space<semaphore_mem>>
        %dma_wait3A_387 = arith.constant 0 : i32
        %dma_wait3A_388 = tpu.memref_slice %arg4[%mul3A_376, %dma_wait3A_387] : memref<819200x32xf32, #tpu.memory_space<hbm>> -> memref<200x32xf32, #tpu.memory_space<hbm>>
        %dma_wait3A_389 = arith.constant 0 : i32
        %dma_wait3A_390 = arith.constant 0 : i32
        %dma_wait3A_391 = tpu.memref_slice %arg6[%dma_wait3A_377, %dma_wait3A_389, %dma_wait3A_390] : memref<4x200x32xf32, #tpu.memory_space<vmem>> -> memref<1x200x32xf32, #tpu.memory_space<vmem>>
        %dma_wait3A_392 = tpu.memref_squeeze %dma_wait3A_391 : memref<1x200x32xf32, #tpu.memory_space<vmem>> -> memref<200x32xf32, #tpu.memory_space<vmem>>
        tpu.wait_dma2 semaphore(%dma_wait3A_386 : memref<!tpu.dma_semaphore, #tpu.memory_space<semaphore_mem>>) src(%dma_wait3A_392 : memref<200x32xf32, #tpu.memory_space<vmem>>) dst(%dma_wait3A_388 : memref<200x32xf32, #tpu.memory_space<hbm>>)
      } else {
      }
      %add3A_298 = arith.constant 4 : i32
      %add3A_299 = arith.addi %add3A_245, %add3A_298 : i32
      %sub3A_300 = arith.constant 1 : i32
      %sub3A_301 = arith.subi %add3A_299, %sub3A_300 : i32
      %lt3A_302 = arith.constant 128 : i32
      %lt3A_303 = arith.cmpi slt, %sub3A_301, %lt3A_302 : i32
      %convert_element_type3A_304 = arith.extui %lt3A_303 : i1 to i32
      %cond3A_305 = arith.constant 0 : i32
      %cond3A_306 = arith.cmpi ne, %convert_element_type3A_304, %cond3A_305 : i32
      scf.if %cond3A_306 {
        %add3A_372 = arith.constant 4 : i32
        %add3A_373 = arith.addi %add3A_245, %add3A_372 : i32
        %sub3A_374 = arith.constant 1 : i32
        %sub3A_375 = arith.subi %add3A_373, %sub3A_374 : i32
        %dma_start3A_376 = arith.constant 1 : i32
        %dma_start3A_377 = arith.constant 1 : i32
        %dma_start3A_378 = arith.constant 0 : i32
        %dma_start3A_379 = arith.constant 0 : i32
        %dma_start3A_380 = tpu.memref_slice %arg6[%dma_start3A_376, %dma_start3A_378, %dma_start3A_379] : memref<4x200x32xf32, #tpu.memory_space<vmem>> -> memref<1x128x32xf32, #tpu.memory_space<vmem>>
        %dma_start3A_381 = tpu.memref_squeeze %dma_start3A_380 : memref<1x128x32xf32, #tpu.memory_space<vmem>> -> memref<128x32xf32, #tpu.memory_space<vmem>>
        %dma_start3A_382 = arith.constant 0 : i32
        %dma_start3A_383 = tpu.memref_slice %arg5[%sub3A_375, %dma_start3A_382] : memref<128x200xi32, #tpu.memory_space<vmem>> -> memref<1x128xi32, #tpu.memory_space<vmem>>
        %dma_start3A_384 = tpu.memref_squeeze %dma_start3A_383 : memref<1x128xi32, #tpu.memory_space<vmem>> -> memref<128xi32, #tpu.memory_space<vmem>>
        %dma_start3A_385 = arith.constant 0 : i32
        %dma_start3A_386 = arith.constant 0 : i32
        %dma_start3A_387 = tpu.memref_slice %arg3[%dma_start3A_385, %dma_start3A_386] : memref<1000000x32xf32, #tpu.memory_space<hbm>> -> memref<1000000x32xf32, #tpu.memory_space<hbm>>
        %dma_start3A_388 = tpu.memref_slice %arg7[%dma_start3A_377] : memref<4x!tpu.dma_semaphore, #tpu.memory_space<semaphore_mem>> -> memref<1x!tpu.dma_semaphore, #tpu.memory_space<semaphore_mem>>
        %dma_start3A_389 = tpu.memref_squeeze %dma_start3A_388 : memref<1x!tpu.dma_semaphore, #tpu.memory_space<semaphore_mem>> -> memref<!tpu.dma_semaphore, #tpu.memory_space<semaphore_mem>>
        tpu.enqueue_indirect_dma source(%dma_start3A_387 : memref<1000000x32xf32, #tpu.memory_space<hbm>>) target(%dma_start3A_381 : memref<128x32xf32, #tpu.memory_space<vmem>>) offsets(%dma_start3A_384 : memref<128xi32, #tpu.memory_space<vmem>>) semaphore(%dma_start3A_389 : memref<!tpu.dma_semaphore, #tpu.memory_space<semaphore_mem>>)
        %dma_start3A_390 = arith.constant 1 : i32
        %dma_start3A_391 = arith.constant 1 : i32
        %dma_start3A_392 = arith.constant 128 : i32
        %dma_start3A_393 = arith.constant 0 : i32
        %dma_start3A_394 = tpu.memref_slice %arg6[%dma_start3A_390, %dma_start3A_392, %dma_start3A_393] : memref<4x200x32xf32, #tpu.memory_space<vmem>> -> memref<1x72x32xf32, #tpu.memory_space<vmem>>
        %dma_start3A_395 = tpu.memref_squeeze %dma_start3A_394 : memref<1x72x32xf32, #tpu.memory_space<vmem>> -> memref<72x32xf32, #tpu.memory_space<vmem>>
        %dma_start3A_396 = arith.constant 128 : i32
        %dma_start3A_397 = tpu.memref_slice %arg5[%sub3A_375, %dma_start3A_396] : memref<128x200xi32, #tpu.memory_space<vmem>> -> memref<1x72xi32, #tpu.memory_space<vmem>>
        %dma_start3A_398 = tpu.memref_squeeze %dma_start3A_397 : memref<1x72xi32, #tpu.memory_space<vmem>> -> memref<72xi32, #tpu.memory_space<vmem>>
        %dma_start3A_399 = arith.constant 0 : i32
        %dma_start3A_400 = arith.constant 0 : i32
        %dma_start3A_401 = tpu.memref_slice %arg3[%dma_start3A_399, %dma_start3A_400] : memref<1000000x32xf32, #tpu.memory_space<hbm>> -> memref<1000000x32xf32, #tpu.memory_space<hbm>>
        %dma_start3A_402 = tpu.memref_slice %arg7[%dma_start3A_391] : memref<4x!tpu.dma_semaphore, #tpu.memory_space<semaphore_mem>> -> memref<1x!tpu.dma_semaphore, #tpu.memory_space<semaphore_mem>>
        %dma_start3A_403 = tpu.memref_squeeze %dma_start3A_402 : memref<1x!tpu.dma_semaphore, #tpu.memory_space<semaphore_mem>> -> memref<!tpu.dma_semaphore, #tpu.memory_space<semaphore_mem>>
        tpu.enqueue_indirect_dma source(%dma_start3A_401 : memref<1000000x32xf32, #tpu.memory_space<hbm>>) target(%dma_start3A_395 : memref<72x32xf32, #tpu.memory_space<vmem>>) offsets(%dma_start3A_398 : memref<72xi32, #tpu.memory_space<vmem>>) semaphore(%dma_start3A_403 : memref<!tpu.dma_semaphore, #tpu.memory_space<semaphore_mem>>)
      } else {
      }
      %mul3A_307 = arith.constant 4 : i32
      %mul3A_308 = arith.muli %scan3A_116, %mul3A_307 : i32
      %add3A_309 = arith.constant 3 : i32
      %add3A_310 = arith.addi %mul3A_308, %add3A_309 : i32
      %dma_wait3A_311 = arith.constant 3 : i32
      %dma_wait3A_312 = arith.constant 3 : i32
      %dma_wait3A_313 = arith.constant 0 : i32
      %dma_wait3A_314 = arith.constant 0 : i32
      %dma_wait3A_315 = tpu.memref_slice %arg6[%dma_wait3A_311, %dma_wait3A_313, %dma_wait3A_314] : memref<4x200x32xf32, #tpu.memory_space<vmem>> -> memref<1x128x32xf32, #tpu.memory_space<vmem>>
      %dma_wait3A_316 = tpu.memref_squeeze %dma_wait3A_315 : memref<1x128x32xf32, #tpu.memory_space<vmem>> -> memref<128x32xf32, #tpu.memory_space<vmem>>
      %dma_wait3A_317 = arith.constant 0 : i32
      %dma_wait3A_318 = tpu.memref_slice %arg5[%add3A_310, %dma_wait3A_317] : memref<128x200xi32, #tpu.memory_space<vmem>> -> memref<1x128xi32, #tpu.memory_space<vmem>>
      %dma_wait3A_319 = tpu.memref_squeeze %dma_wait3A_318 : memref<1x128xi32, #tpu.memory_space<vmem>> -> memref<128xi32, #tpu.memory_space<vmem>>
      %dma_wait3A_320 = arith.constant 0 : i32
      %dma_wait3A_321 = arith.constant 0 : i32
      %dma_wait3A_322 = tpu.memref_slice %arg3[%dma_wait3A_320, %dma_wait3A_321] : memref<1000000x32xf32, #tpu.memory_space<hbm>> -> memref<1000000x32xf32, #tpu.memory_space<hbm>>
      %dma_wait3A_323 = tpu.memref_slice %arg7[%dma_wait3A_312] : memref<4x!tpu.dma_semaphore, #tpu.memory_space<semaphore_mem>> -> memref<1x!tpu.dma_semaphore, #tpu.memory_space<semaphore_mem>>
      %dma_wait3A_324 = tpu.memref_squeeze %dma_wait3A_323 : memref<1x!tpu.dma_semaphore, #tpu.memory_space<semaphore_mem>> -> memref<!tpu.dma_semaphore, #tpu.memory_space<semaphore_mem>>
      tpu.wait_indirect_dma semaphore(%dma_wait3A_324 : memref<!tpu.dma_semaphore, #tpu.memory_space<semaphore_mem>>) src(%dma_wait3A_322 : memref<1000000x32xf32, #tpu.memory_space<hbm>>) dst(%dma_wait3A_316 : memref<128x32xf32, #tpu.memory_space<vmem>>)
      %dma_wait3A_325 = arith.constant 3 : i32
      %dma_wait3A_326 = arith.constant 3 : i32
      %dma_wait3A_327 = arith.constant 128 : i32
      %dma_wait3A_328 = arith.constant 0 : i32
      %dma_wait3A_329 = tpu.memref_slice %arg6[%dma_wait3A_325, %dma_wait3A_327, %dma_wait3A_328] : memref<4x200x32xf32, #tpu.memory_space<vmem>> -> memref<1x72x32xf32, #tpu.memory_space<vmem>>
      %dma_wait3A_330 = tpu.memref_squeeze %dma_wait3A_329 : memref<1x72x32xf32, #tpu.memory_space<vmem>> -> memref<72x32xf32, #tpu.memory_space<vmem>>
      %dma_wait3A_331 = arith.constant 128 : i32
      %dma_wait3A_332 = tpu.memref_slice %arg5[%add3A_310, %dma_wait3A_331] : memref<128x200xi32, #tpu.memory_space<vmem>> -> memref<1x72xi32, #tpu.memory_space<vmem>>
      %dma_wait3A_333 = tpu.memref_squeeze %dma_wait3A_332 : memref<1x72xi32, #tpu.memory_space<vmem>> -> memref<72xi32, #tpu.memory_space<vmem>>
      %dma_wait3A_334 = arith.constant 0 : i32
      %dma_wait3A_335 = arith.constant 0 : i32
      %dma_wait3A_336 = tpu.memref_slice %arg3[%dma_wait3A_334, %dma_wait3A_335] : memref<1000000x32xf32, #tpu.memory_space<hbm>> -> memref<1000000x32xf32, #tpu.memory_space<hbm>>
      %dma_wait3A_337 = tpu.memref_slice %arg7[%dma_wait3A_326] : memref<4x!tpu.dma_semaphore, #tpu.memory_space<semaphore_mem>> -> memref<1x!tpu.dma_semaphore, #tpu.memory_space<semaphore_mem>>
      %dma_wait3A_338 = tpu.memref_squeeze %dma_wait3A_337 : memref<1x!tpu.dma_semaphore, #tpu.memory_space<semaphore_mem>> -> memref<!tpu.dma_semaphore, #tpu.memory_space<semaphore_mem>>
      tpu.wait_indirect_dma semaphore(%dma_wait3A_338 : memref<!tpu.dma_semaphore, #tpu.memory_space<semaphore_mem>>) src(%dma_wait3A_336 : memref<1000000x32xf32, #tpu.memory_space<hbm>>) dst(%dma_wait3A_330 : memref<72x32xf32, #tpu.memory_space<vmem>>)
      %add3A_339 = arith.addi %mul3A_2, %add3A_310 : i32
      %mul3A_340 = arith.constant 200 : i32
      %mul3A_341 = arith.muli %add3A_339, %mul3A_340 : i32
      %dma_start3A_342 = arith.constant 3 : i32
      %dma_start3A_343 = arith.constant 3 : i32
      %dma_start3A_344 = arith.constant 0 : i32
      %dma_start3A_345 = arith.constant 0 : i32
      %dma_start3A_346 = tpu.memref_slice %arg6[%dma_start3A_342, %dma_start3A_344, %dma_start3A_345] : memref<4x200x32xf32, #tpu.memory_space<vmem>> -> memref<1x200x32xf32, #tpu.memory_space<vmem>>
      %dma_start3A_347 = tpu.memref_squeeze %dma_start3A_346 : memref<1x200x32xf32, #tpu.memory_space<vmem>> -> memref<200x32xf32, #tpu.memory_space<vmem>>
      %dma_start3A_348 = arith.constant 0 : i32
      %dma_start3A_349 = tpu.memref_slice %arg4[%mul3A_341, %dma_start3A_348] : memref<819200x32xf32, #tpu.memory_space<hbm>> -> memref<200x32xf32, #tpu.memory_space<hbm>>
      %dma_start3A_350 = tpu.memref_slice %arg8[%dma_start3A_343] : memref<4x!tpu.dma_semaphore, #tpu.memory_space<semaphore_mem>> -> memref<1x!tpu.dma_semaphore, #tpu.memory_space<semaphore_mem>>
      %dma_start3A_351 = tpu.memref_squeeze %dma_start3A_350 : memref<1x!tpu.dma_semaphore, #tpu.memory_space<semaphore_mem>> -> memref<!tpu.dma_semaphore, #tpu.memory_space<semaphore_mem>>
      %dma_start3A_352 = arith.constant 0 : i32
      %dma_start3A_353 = tpu.memref_slice %arg4[%mul3A_341, %dma_start3A_352] : memref<819200x32xf32, #tpu.memory_space<hbm>> -> memref<200x32xf32, #tpu.memory_space<hbm>>
      %dma_start3A_354 = arith.constant 0 : i32
      %dma_start3A_355 = arith.constant 0 : i32
      %dma_start3A_356 = tpu.memref_slice %arg6[%dma_start3A_342, %dma_start3A_354, %dma_start3A_355] : memref<4x200x32xf32, #tpu.memory_space<vmem>> -> memref<1x200x32xf32, #tpu.memory_space<vmem>>
      %dma_start3A_357 = tpu.memref_squeeze %dma_start3A_356 : memref<1x200x32xf32, #tpu.memory_space<vmem>> -> memref<200x32xf32, #tpu.memory_space<vmem>>
      tpu.enqueue_dma source(%dma_start3A_357 : memref<200x32xf32, #tpu.memory_space<vmem>>) target(%dma_start3A_353 : memref<200x32xf32, #tpu.memory_space<hbm>>) target_semaphore(%dma_start3A_351 : memref<!tpu.dma_semaphore, #tpu.memory_space<semaphore_mem>>)
      %ge3A_358 = arith.constant 1 : i32
      %ge3A_359 = arith.cmpi sge, %add3A_310, %ge3A_358 : i32
      %convert_element_type3A_360 = arith.extui %ge3A_359 : i1 to i32
      %cond3A_361 = arith.constant 0 : i32
      %cond3A_362 = arith.cmpi ne, %convert_element_type3A_360, %cond3A_361 : i32
      scf.if %cond3A_362 {
        %sub3A_372 = arith.constant 1 : i32
        %sub3A_373 = arith.subi %add3A_310, %sub3A_372 : i32
        %add3A_374 = arith.addi %mul3A_2, %sub3A_373 : i32
        %mul3A_375 = arith.constant 200 : i32
        %mul3A_376 = arith.muli %add3A_374, %mul3A_375 : i32
        %dma_wait3A_377 = arith.constant 2 : i32
        %dma_wait3A_378 = arith.constant 2 : i32
        %dma_wait3A_379 = arith.constant 0 : i32
        %dma_wait3A_380 = arith.constant 0 : i32
        %dma_wait3A_381 = tpu.memref_slice %arg6[%dma_wait3A_377, %dma_wait3A_379, %dma_wait3A_380] : memref<4x200x32xf32, #tpu.memory_space<vmem>> -> memref<1x200x32xf32, #tpu.memory_space<vmem>>
        %dma_wait3A_382 = tpu.memref_squeeze %dma_wait3A_381 : memref<1x200x32xf32, #tpu.memory_space<vmem>> -> memref<200x32xf32, #tpu.memory_space<vmem>>
        %dma_wait3A_383 = arith.constant 0 : i32
        %dma_wait3A_384 = tpu.memref_slice %arg4[%mul3A_376, %dma_wait3A_383] : memref<819200x32xf32, #tpu.memory_space<hbm>> -> memref<200x32xf32, #tpu.memory_space<hbm>>
        %dma_wait3A_385 = tpu.memref_slice %arg8[%dma_wait3A_378] : memref<4x!tpu.dma_semaphore, #tpu.memory_space<semaphore_mem>> -> memref<1x!tpu.dma_semaphore, #tpu.memory_space<semaphore_mem>>
        %dma_wait3A_386 = tpu.memref_squeeze %dma_wait3A_385 : memref<1x!tpu.dma_semaphore, #tpu.memory_space<semaphore_mem>> -> memref<!tpu.dma_semaphore, #tpu.memory_space<semaphore_mem>>
        %dma_wait3A_387 = arith.constant 0 : i32
        %dma_wait3A_388 = tpu.memref_slice %arg4[%mul3A_376, %dma_wait3A_387] : memref<819200x32xf32, #tpu.memory_space<hbm>> -> memref<200x32xf32, #tpu.memory_space<hbm>>
        %dma_wait3A_389 = arith.constant 0 : i32
        %dma_wait3A_390 = arith.constant 0 : i32
        %dma_wait3A_391 = tpu.memref_slice %arg6[%dma_wait3A_377, %dma_wait3A_389, %dma_wait3A_390] : memref<4x200x32xf32, #tpu.memory_space<vmem>> -> memref<1x200x32xf32, #tpu.memory_space<vmem>>
        %dma_wait3A_392 = tpu.memref_squeeze %dma_wait3A_391 : memref<1x200x32xf32, #tpu.memory_space<vmem>> -> memref<200x32xf32, #tpu.memory_space<vmem>>
        tpu.wait_dma2 semaphore(%dma_wait3A_386 : memref<!tpu.dma_semaphore, #tpu.memory_space<semaphore_mem>>) src(%dma_wait3A_392 : memref<200x32xf32, #tpu.memory_space<vmem>>) dst(%dma_wait3A_388 : memref<200x32xf32, #tpu.memory_space<hbm>>)
      } else {
      }
      %add3A_363 = arith.constant 4 : i32
      %add3A_364 = arith.addi %add3A_310, %add3A_363 : i32
      %sub3A_365 = arith.constant 1 : i32
      %sub3A_366 = arith.subi %add3A_364, %sub3A_365 : i32
      %lt3A_367 = arith.constant 128 : i32
      %lt3A_368 = arith.cmpi slt, %sub3A_366, %lt3A_367 : i32
      %convert_element_type3A_369 = arith.extui %lt3A_368 : i1 to i32
      %cond3A_370 = arith.constant 0 : i32
      %cond3A_371 = arith.cmpi ne, %convert_element_type3A_369, %cond3A_370 : i32
      scf.if %cond3A_371 {
        %add3A_372 = arith.constant 4 : i32
        %add3A_373 = arith.addi %add3A_310, %add3A_372 : i32
        %sub3A_374 = arith.constant 1 : i32
        %sub3A_375 = arith.subi %add3A_373, %sub3A_374 : i32
        %dma_start3A_376 = arith.constant 2 : i32
        %dma_start3A_377 = arith.constant 2 : i32
        %dma_start3A_378 = arith.constant 0 : i32
        %dma_start3A_379 = arith.constant 0 : i32
        %dma_start3A_380 = tpu.memref_slice %arg6[%dma_start3A_376, %dma_start3A_378, %dma_start3A_379] : memref<4x200x32xf32, #tpu.memory_space<vmem>> -> memref<1x128x32xf32, #tpu.memory_space<vmem>>
        %dma_start3A_381 = tpu.memref_squeeze %dma_start3A_380 : memref<1x128x32xf32, #tpu.memory_space<vmem>> -> memref<128x32xf32, #tpu.memory_space<vmem>>
        %dma_start3A_382 = arith.constant 0 : i32
        %dma_start3A_383 = tpu.memref_slice %arg5[%sub3A_375, %dma_start3A_382] : memref<128x200xi32, #tpu.memory_space<vmem>> -> memref<1x128xi32, #tpu.memory_space<vmem>>
        %dma_start3A_384 = tpu.memref_squeeze %dma_start3A_383 : memref<1x128xi32, #tpu.memory_space<vmem>> -> memref<128xi32, #tpu.memory_space<vmem>>
        %dma_start3A_385 = arith.constant 0 : i32
        %dma_start3A_386 = arith.constant 0 : i32
        %dma_start3A_387 = tpu.memref_slice %arg3[%dma_start3A_385, %dma_start3A_386] : memref<1000000x32xf32, #tpu.memory_space<hbm>> -> memref<1000000x32xf32, #tpu.memory_space<hbm>>
        %dma_start3A_388 = tpu.memref_slice %arg7[%dma_start3A_377] : memref<4x!tpu.dma_semaphore, #tpu.memory_space<semaphore_mem>> -> memref<1x!tpu.dma_semaphore, #tpu.memory_space<semaphore_mem>>
        %dma_start3A_389 = tpu.memref_squeeze %dma_start3A_388 : memref<1x!tpu.dma_semaphore, #tpu.memory_space<semaphore_mem>> -> memref<!tpu.dma_semaphore, #tpu.memory_space<semaphore_mem>>
        tpu.enqueue_indirect_dma source(%dma_start3A_387 : memref<1000000x32xf32, #tpu.memory_space<hbm>>) target(%dma_start3A_381 : memref<128x32xf32, #tpu.memory_space<vmem>>) offsets(%dma_start3A_384 : memref<128xi32, #tpu.memory_space<vmem>>) semaphore(%dma_start3A_389 : memref<!tpu.dma_semaphore, #tpu.memory_space<semaphore_mem>>)
        %dma_start3A_390 = arith.constant 2 : i32
        %dma_start3A_391 = arith.constant 2 : i32
        %dma_start3A_392 = arith.constant 128 : i32
        %dma_start3A_393 = arith.constant 0 : i32
        %dma_start3A_394 = tpu.memref_slice %arg6[%dma_start3A_390, %dma_start3A_392, %dma_start3A_393] : memref<4x200x32xf32, #tpu.memory_space<vmem>> -> memref<1x72x32xf32, #tpu.memory_space<vmem>>
        %dma_start3A_395 = tpu.memref_squeeze %dma_start3A_394 : memref<1x72x32xf32, #tpu.memory_space<vmem>> -> memref<72x32xf32, #tpu.memory_space<vmem>>
        %dma_start3A_396 = arith.constant 128 : i32
        %dma_start3A_397 = tpu.memref_slice %arg5[%sub3A_375, %dma_start3A_396] : memref<128x200xi32, #tpu.memory_space<vmem>> -> memref<1x72xi32, #tpu.memory_space<vmem>>
        %dma_start3A_398 = tpu.memref_squeeze %dma_start3A_397 : memref<1x72xi32, #tpu.memory_space<vmem>> -> memref<72xi32, #tpu.memory_space<vmem>>
        %dma_start3A_399 = arith.constant 0 : i32
        %dma_start3A_400 = arith.constant 0 : i32
        %dma_start3A_401 = tpu.memref_slice %arg3[%dma_start3A_399, %dma_start3A_400] : memref<1000000x32xf32, #tpu.memory_space<hbm>> -> memref<1000000x32xf32, #tpu.memory_space<hbm>>
        %dma_start3A_402 = tpu.memref_slice %arg7[%dma_start3A_391] : memref<4x!tpu.dma_semaphore, #tpu.memory_space<semaphore_mem>> -> memref<1x!tpu.dma_semaphore, #tpu.memory_space<semaphore_mem>>
        %dma_start3A_403 = tpu.memref_squeeze %dma_start3A_402 : memref<1x!tpu.dma_semaphore, #tpu.memory_space<semaphore_mem>> -> memref<!tpu.dma_semaphore, #tpu.memory_space<semaphore_mem>>
        tpu.enqueue_indirect_dma source(%dma_start3A_401 : memref<1000000x32xf32, #tpu.memory_space<hbm>>) target(%dma_start3A_395 : memref<72x32xf32, #tpu.memory_space<vmem>>) offsets(%dma_start3A_398 : memref<72xi32, #tpu.memory_space<vmem>>) semaphore(%dma_start3A_403 : memref<!tpu.dma_semaphore, #tpu.memory_space<semaphore_mem>>)
      } else {
      }
    }
    %scan3A_96 = arith.constant 32 : i32
    %add3A_97 = arith.constant 127 : i32
    %add3A_98 = arith.addi %mul3A_2, %add3A_97 : i32
    %mul3A_99 = arith.constant 200 : i32
    %mul3A_100 = arith.muli %add3A_98, %mul3A_99 : i32
    %dma_wait3A = arith.constant 3 : i32
    %dma_wait3A_101 = arith.constant 3 : i32
    %dma_wait3A_102 = arith.constant 0 : i32
    %dma_wait3A_103 = arith.constant 0 : i32
    %dma_wait3A_104 = tpu.memref_slice %arg6[%dma_wait3A, %dma_wait3A_102, %dma_wait3A_103] : memref<4x200x32xf32, #tpu.memory_space<vmem>> -> memref<1x200x32xf32, #tpu.memory_space<vmem>>
    %dma_wait3A_105 = tpu.memref_squeeze %dma_wait3A_104 : memref<1x200x32xf32, #tpu.memory_space<vmem>> -> memref<200x32xf32, #tpu.memory_space<vmem>>
    %dma_wait3A_106 = arith.constant 0 : i32
    %dma_wait3A_107 = tpu.memref_slice %arg4[%mul3A_100, %dma_wait3A_106] : memref<819200x32xf32, #tpu.memory_space<hbm>> -> memref<200x32xf32, #tpu.memory_space<hbm>>
    %dma_wait3A_108 = tpu.memref_slice %arg8[%dma_wait3A_101] : memref<4x!tpu.dma_semaphore, #tpu.memory_space<semaphore_mem>> -> memref<1x!tpu.dma_semaphore, #tpu.memory_space<semaphore_mem>>
    %dma_wait3A_109 = tpu.memref_squeeze %dma_wait3A_108 : memref<1x!tpu.dma_semaphore, #tpu.memory_space<semaphore_mem>> -> memref<!tpu.dma_semaphore, #tpu.memory_space<semaphore_mem>>
    %dma_wait3A_110 = arith.constant 0 : i32
    %dma_wait3A_111 = tpu.memref_slice %arg4[%mul3A_100, %dma_wait3A_110] : memref<819200x32xf32, #tpu.memory_space<hbm>> -> memref<200x32xf32, #tpu.memory_space<hbm>>
    %dma_wait3A_112 = arith.constant 0 : i32
    %dma_wait3A_113 = arith.constant 0 : i32
    %dma_wait3A_114 = tpu.memref_slice %arg6[%dma_wait3A, %dma_wait3A_112, %dma_wait3A_113] : memref<4x200x32xf32, #tpu.memory_space<vmem>> -> memref<1x200x32xf32, #tpu.memory_space<vmem>>
    %dma_wait3A_115 = tpu.memref_squeeze %dma_wait3A_114 : memref<1x200x32xf32, #tpu.memory_space<vmem>> -> memref<200x32xf32, #tpu.memory_space<vmem>>
    tpu.wait_dma2 semaphore(%dma_wait3A_109 : memref<!tpu.dma_semaphore, #tpu.memory_space<semaphore_mem>>) src(%dma_wait3A_115 : memref<200x32xf32, #tpu.memory_space<vmem>>) dst(%dma_wait3A_111 : memref<200x32xf32, #tpu.memory_space<hbm>>)
    return
  }
}

module attributes {stable_mosaic.version = 14 : i64} {
  func.func @body(%arg0: i32, %arg1: memref<128x6400xf32, #tpu.memory_space<vmem>>, %arg2: memref<32x64xf32, #tpu.memory_space<vmem>>, %arg3: memref<64x1xf32, #tpu.memory_space<vmem>>, %arg4: memref<64x2xf32, #tpu.memory_space<vmem>>, %arg5: memref<2x1xf32, #tpu.memory_space<vmem>>, %arg6: memref<6400x128xf32, #tpu.memory_space<vmem>>, %arg7: memref<32x128xf32, #tpu.memory_space<vmem>>, %arg8: memref<64x128xf32, #tpu.memory_space<vmem>>, %arg9: memref<2x128xf32, #tpu.memory_space<vmem>>) attributes {dimension_semantics = [#tpu.dimension_semantics<arbitrary>], iteration_bounds = array<i64: 32>, scalar_prefetch = 0 : i64, scratch_operands = 0 : i64, tpu.core_type = #tpu.core_type<tc>, window_params = [{transform_indices = @transform_0, window_bounds = array<i64: 128, 6400>}, {pipeline_mode = #tpu.pipeline_mode<synchronous>, transform_indices = @transform_1, window_bounds = array<i64: 32, 64>}, {pipeline_mode = #tpu.pipeline_mode<synchronous>, transform_indices = @transform_2, window_bounds = array<i64: 64, 1>}, {pipeline_mode = #tpu.pipeline_mode<synchronous>, transform_indices = @transform_3, window_bounds = array<i64: 64, 2>}, {pipeline_mode = #tpu.pipeline_mode<synchronous>, transform_indices = @transform_4, window_bounds = array<i64: 2, 1>}, {transform_indices = @transform_5, window_bounds = array<i64: 6400, 128>}, {transform_indices = @transform_6, window_bounds = array<i64: 32, 128>}, {transform_indices = @transform_7, window_bounds = array<i64: 64, 128>}, {transform_indices = @transform_8, window_bounds = array<i64: 2, 128>}]} {
    %get3A = arith.constant 0 : index
    %get3A_0 = arith.constant 0 : index
    %get3A_1 = vector.load %arg1[%get3A, %get3A_0] : memref<128x6400xf32, #tpu.memory_space<vmem>>, vector<128x6400xf32>
    %transpose3A = tpu.transpose %get3A_1, [1, 0] : vector<128x6400xf32> -> vector<6400x128xf32>
    %swap3A = arith.constant 0 : index
    %swap3A_2 = arith.constant 0 : index
    %swap3A_3 = vector.load %arg6[%swap3A, %swap3A_2] : memref<6400x128xf32, #tpu.memory_space<vmem>>, vector<6400x128xf32>
    tpu.vector_store %arg6[%swap3A, %swap3A_2], %transpose3A {strides = array<i32>} : memref<6400x128xf32, #tpu.memory_space<vmem>>, vector<6400x128xf32>,
    %reshape3A = vector.shape_cast %transpose3A : vector<6400x128xf32> to vector<200x32x128xf32>
    %reduce_sum3A = arith.constant dense<0.000000e+00> : vector<32x128xf32>
    %reduce_sum3A_4 = vector.multi_reduction <add>, %reshape3A, %reduce_sum3A [0] : vector<200x32x128xf32> to vector<32x128xf32>
    %mul3A = arith.constant 5.000000e-03 : f32
    %mul3A_5 = vector.broadcast %mul3A : f32 to vector<32x128xf32>
    %mul3A_6 = arith.mulf %reduce_sum3A_4, %mul3A_5 : vector<32x128xf32>
    %swap3A_7 = arith.constant 0 : index
    %swap3A_8 = arith.constant 0 : index
    %swap3A_9 = vector.load %arg7[%swap3A_7, %swap3A_8] : memref<32x128xf32, #tpu.memory_space<vmem>>, vector<32x128xf32>
    tpu.vector_store %arg7[%swap3A_7, %swap3A_8], %mul3A_6 {strides = array<i32>} : memref<32x128xf32, #tpu.memory_space<vmem>>, vector<32x128xf32>,
    %get3A_10 = arith.constant 0 : index
    %get3A_11 = arith.constant 0 : index
    %get3A_12 = vector.load %arg2[%get3A_10, %get3A_11] : memref<32x64xf32, #tpu.memory_space<vmem>>, vector<32x64xf32>
    %transpose3A_13 = tpu.transpose %get3A_12, [1, 0] : vector<32x64xf32> -> vector<64x32xf32>
    %dot_general3A = arith.constant dense<0.000000e+00> : vector<64x128xf32>
    %dot_general3A_14 = tpu.matmul %transpose3A_13, %mul3A_6, %dot_general3A {dimension_numbers = #tpu.dot_dimension_numbers<[1], [0], [0], [1], [0, 0, 1, 1], [], []>, transpose_lhs_hint = false} : vector<64x32xf32>, vector<32x128xf32>, vector<64x128xf32> -> vector<64x128xf32>
    %get3A_15 = arith.constant 0 : index
    %get3A_16 = arith.constant 0 : index
    %get3A_17 = vector.load %arg3[%get3A_15, %get3A_16] : memref<64x1xf32, #tpu.memory_space<vmem>>, vector<64x1xf32>
    %add3A = vector.broadcast %get3A_17 : vector<64x1xf32> to vector<64x128xf32>
    %add3A_18 = arith.addf %dot_general3A_14, %add3A : vector<64x128xf32>
    %max3A = arith.constant 0.000000e+00 : f32
    %max3A_19 = vector.broadcast %max3A : f32 to vector<64x128xf32>
    %max3A_20 = arith.maximumf %add3A_18, %max3A_19 : vector<64x128xf32>
    %swap3A_21 = arith.constant 0 : index
    %swap3A_22 = arith.constant 0 : index
    %swap3A_23 = vector.load %arg8[%swap3A_21, %swap3A_22] : memref<64x128xf32, #tpu.memory_space<vmem>>, vector<64x128xf32>
    tpu.vector_store %arg8[%swap3A_21, %swap3A_22], %max3A_20 {strides = array<i32>} : memref<64x128xf32, #tpu.memory_space<vmem>>, vector<64x128xf32>,
    %get3A_24 = arith.constant 0 : index
    %get3A_25 = arith.constant 0 : index
    %get3A_26 = vector.load %arg4[%get3A_24, %get3A_25] : memref<64x2xf32, #tpu.memory_space<vmem>>, vector<64x2xf32>
    %transpose3A_27 = tpu.transpose %get3A_26, [1, 0] : vector<64x2xf32> -> vector<2x64xf32>
    %dot_general3A_28 = arith.constant dense<0.000000e+00> : vector<2x128xf32>
    %dot_general3A_29 = tpu.matmul %transpose3A_27, %max3A_20, %dot_general3A_28 {dimension_numbers = #tpu.dot_dimension_numbers<[1], [0], [0], [1], [0, 0, 1, 1], [], []>, transpose_lhs_hint = false} : vector<2x64xf32>, vector<64x128xf32>, vector<2x128xf32> -> vector<2x128xf32>
    %get3A_30 = arith.constant 0 : index
    %get3A_31 = arith.constant 0 : index
    %get3A_32 = vector.load %arg5[%get3A_30, %get3A_31] : memref<2x1xf32, #tpu.memory_space<vmem>>, vector<2x1xf32>
    %add3A_33 = vector.broadcast %get3A_32 : vector<2x1xf32> to vector<2x128xf32>
    %add3A_34 = arith.addf %dot_general3A_29, %add3A_33 : vector<2x128xf32>
    %swap3A_35 = arith.constant 0 : index
    %swap3A_36 = arith.constant 0 : index
    %swap3A_37 = vector.load %arg9[%swap3A_35, %swap3A_36] : memref<2x128xf32, #tpu.memory_space<vmem>>, vector<2x128xf32>
    tpu.vector_store %arg9[%swap3A_35, %swap3A_36], %add3A_34 {strides = array<i32>} : memref<2x128xf32, #tpu.memory_space<vmem>>, vector<2x128xf32>,
    return
  }
  func.func @transform_0(%arg0: i32) -> (i32, i32) {
    %c0_i32 = arith.constant 0 : i32
    %c0_i32_0 = arith.constant 0 : i32
    return %arg0, %c0_i32 : i32, i32
  }
  func.func @transform_1(%arg0: i32) -> (i32, i32) {
    %c0_i32 = arith.constant 0 : i32
    %c0_i32_0 = arith.constant 0 : i32
    %c0_i32_1 = arith.constant 0 : i32
    return %c0_i32, %c0_i32_0 : i32, i32
  }
  func.func @transform_2(%arg0: i32) -> (i32, i32) {
    %c0_i32 = arith.constant 0 : i32
    %c0_i32_0 = arith.constant 0 : i32
    %c0_i32_1 = arith.constant 0 : i32
    return %c0_i32, %c0_i32_0 : i32, i32
  }
  func.func @transform_3(%arg0: i32) -> (i32, i32) {
    %c0_i32 = arith.constant 0 : i32
    %c0_i32_0 = arith.constant 0 : i32
    %c0_i32_1 = arith.constant 0 : i32
    return %c0_i32, %c0_i32_0 : i32, i32
  }
  func.func @transform_4(%arg0: i32) -> (i32, i32) {
    %c0_i32 = arith.constant 0 : i32
    %c0_i32_0 = arith.constant 0 : i32
    %c0_i32_1 = arith.constant 0 : i32
    return %c0_i32, %c0_i32_0 : i32, i32
  }
  func.func @transform_5(%arg0: i32) -> (i32, i32) {
    %c0_i32 = arith.constant 0 : i32
    %c0_i32_0 = arith.constant 0 : i32
    return %c0_i32, %arg0 : i32, i32
  }
  func.func @transform_6(%arg0: i32) -> (i32, i32) {
    %c0_i32 = arith.constant 0 : i32
    %c0_i32_0 = arith.constant 0 : i32
    return %c0_i32, %arg0 : i32, i32
  }
  func.func @transform_7(%arg0: i32) -> (i32, i32) {
    %c0_i32 = arith.constant 0 : i32
    %c0_i32_0 = arith.constant 0 : i32
    return %c0_i32, %arg0 : i32, i32
  }
  func.func @transform_8(%arg0: i32) -> (i32, i32) {
    %c0_i32 = arith.constant 0 : i32
    %c0_i32_0 = arith.constant 0 : i32
    return %c0_i32, %arg0 : i32, i32
  }
}

</mosaic_0001>

<sc_bundles>
// kernel: kernel.4.cloned.1.call-start
scs
__scs_entry_jumppad:
0x0: {  	(pc) =	sbr.rel $0x88, $3  }
0x1: {  	(tag) =	ssettag $0x0;
	lr =	simm.s32 $0x1  }
0x2: {  	[smem:$0x3F9B] =	sst lr;
	_ =	strace $0xD0000000  }
0x3: {  	_ = 	snop  }
0x4: {  	_ = 	snop  }
0x5: {  	_ = 	snop  }
0x6: {  	_ = 	snop  }
0x7: {  	_ = 	snop  }
__scs_overlays_trampoline_lowered:
0x8: {  	[smem:$0x3FAA] =	sst s0  }
0x9: {  	[smem:$0x3FAB] =	sst s1  }
0xa: {  	[smem:$0x3FAC] =	sst s2  }
0xb: {  	[smem:$0x3FAD] =	sst s3  }
0xc: {  	[smem:$0x3FAE] =	sst s4  }
0xd: {  	[smem:$0x3FAF] =	sst s5  }
0xe: {  	[smem:$0x3FB0] =	sst s6  }
0xf: {  	[smem:$0x3FB1] =	sst s7  }
0x10: {  	[smem:$0x3FB2] =	sst s8  }
0x11: {  	[smem:$0x3FB3] =	sst s9;
	s0 =	simm.s32 @!p0 $0x0  }
0x12: {  	s1 =	sld [smem:$0x3F99];
	s0 =	simm.s32 @p0 $0x1  }
0x13: {  	[smem:$0x3FB4] =	sst s0;
	s0 =	simm.s32 @!p1 $0x0  }
0x14: {  	s2 =	sld [smem:$0x3F98];
	s0 =	simm.s32 @p1 $0x1  }
0x15: {  	[smem:$0x3FB5] =	sst s0;
	s0 =	simm.s32 @!p2 $0x0  }
0x16: {  	s3 =	sld [smem:$0x3FDB];
	s0 =	simm.s32 @p2 $0x1  }
0x17: {  	s4 =	simm.s32 $0x1BF5;
	[smem:$0x3FB7] =	sst s0  }
0x18: {  	s0 =	sld [smem:$0x3F9A];
	_ =	swait.ge [sflag:s4], $0x0  }
0x19: {  	s7 =	sld [smem:$0x3F9B]  }
0x1a: {  	s8 =	sadd.s32 $0xFFFFE003, lr  }
0x1b: {  	s9 =	sadd.s32 $0xFFFFFEF7, lr;
	s5 =	simm.s32 $0xFFFFFFFF;
	p2 =	slt.u32 s8, $0xFFFFF086  }
0x1c: {  	p1 =	slt.u32 s9, $0xF7A;
	s5 =	simm.s32 @!p2 $0x0  }
0x1d: {  	s5 =	simm.s32 @p1 $0x1;
	p0 =	seq.s32 s7, s2  }
0x1e: {  	s7 =	smul.u32 @!p0 $0xF7A, s2;
	p2 =	seq.s32 @!p0 s5, $0x0  }
0x1f: {  	s9 =	smul.u32 $0xF7A, s1;
	s8 =	simm.s32 @!p0 $0x1BF5;
	p2 =	por !p2, p0  }
0x20: {  	[sflag:s8] =	ssyncset.s32 @!p0 $0xFFFFF086;
	s6 =	sadd.s32 @!p0 s3, s7;
	s7 =	simm.s32 @!p0 $0x108  }
0x21: {  	s3 =	sadd.s32 s3, s9;
	s6 =	sadd.s32 @!p0 $0x88, s6;
	s7 =	simm.s32 @p2 $0x1082  }
0x22: {  	[simem:s7], [sflag:s8] =	dma.local @!p0 [hbm:s6], $0xF7A  }
0x23: {  	s9 =	sor.u32 $0xD0000000, s2;
	s6 =	simm.s32 $0x108;
	_ =	swait.ge @!p0 [sflag:s8], $0x0  }
0x24: {  	s3 =	sadd.s32 $0x88, s3;
	s6 =	simm.s32 @!p1 $0x1082;
	[sflag:s4] =	ssyncset.s32 $0xFFFFF086  }
0x25: {  	[simem:s6], [sflag:s4] =	dma.local [hbm:s3], $0xF7A  }
0x26: {  	[smem:$0x3F9B] =	sst s1;
	(tag) =	ssettag s2;
	_ =	strace s9  }
0x27: {  	s1 =	sld [smem:$0x3FAB]  }
0x28: {  	s2 =	sld [smem:$0x3FAC]  }
0x29: {  	s4 =	sld [smem:$0x3FAE]  }
0x2a: {  	p0 =	seq.s32 s5, $0x0;
	s5 =	sld [smem:$0x3FAF]  }
0x2b: {  	s6 =	sld [smem:$0x3FB0]  }
0x2c: {  	s7 =	sld [smem:$0x3FB1]  }
0x2d: {  	s3 =	simm.s32 $0x108;
	s8 =	sld [smem:$0x3FB2]  }
0x2e: {  	s3 =	simm.s32 @!p0 $0x1082;
	s9 =	sld [smem:$0x3FB3]  }
0x2f: {  	lr =	sadd.s32 s0, s3;
	s0 =	sld [smem:$0x3FAA]  }
0x30: {  	s3 =	sld [smem:$0x3FAD]  }
0x31: {  	[smem:$0x3FB6] =	sst s10  }
0x32: {  	s10 =	sld [smem:$0x3FB4];
	_ =	sdelay $0x3  }
0x33: {  	p0 =	seq.s32 s10, $0x1;
	s10 =	sld [smem:$0x3FB6];
	_ =	sdelay $0x3  }
0x34: {  	[smem:$0x3FB6] =	sst s10  }
0x35: {  	s10 =	sld [smem:$0x3FB5];
	_ =	sdelay $0x3  }
0x36: {  	p1 =	seq.s32 s10, $0x1;
	s10 =	sld [smem:$0x3FB6];
	_ =	sdelay $0x3  }
0x37: {  	[smem:$0x3FB6] =	sst s10  }
0x38: {  	s10 =	sld [smem:$0x3FB7]  }
0x39: {  	_ = 	snop;
	(pc) =	sbr.ind lr, $3  }
0x3a: {  	_ = 	snop  }
0x3b: {  	_ = 	snop  }
0x3c: {  	p2 =	seq.s32 s10, $0x1;
	s10 =	sld [smem:$0x3FB6]  }
0x3d: {  	_ =	shalt  }
0x3e: {  	_ =	shalt  }
0x3f: {  	_ =	shalt  }
0x40: {  	_ =	shalt  }
0x41: {  	_ =	shalt  }
0x42: {  	_ =	shalt  }
0x43: {  	_ =	shalt  }
0x44: {  	_ =	shalt  }
0x45: {  	_ =	shalt  }
0x46: {  	_ =	shalt  }
0x47: {  	_ =	shalt  }
0x48: {  	_ =	shalt  }
0x49: {  	_ =	shalt  }
0x4a: {  	_ =	shalt  }
0x4b: {  	_ =	shalt  }
0x4c: {  	_ =	shalt  }
0x4d: {  	_ =	shalt  }
0x4e: {  	_ =	shalt  }
0x4f: {  	_ =	shalt  }
0x50: {  	_ =	shalt  }
0x51: {  	_ =	shalt  }
0x52: {  	_ =	shalt  }
0x53: {  	_ =	shalt  }
0x54: {  	_ =	shalt  }
0x55: {  	_ =	shalt  }
0x56: {  	_ =	shalt  }
0x57: {  	_ =	shalt  }
0x58: {  	_ =	shalt  }
0x59: {  	_ =	shalt  }
0x5a: {  	_ =	shalt  }
0x5b: {  	_ =	shalt  }
0x5c: {  	_ =	shalt  }
0x5d: {  	_ =	shalt  }
0x5e: {  	_ =	shalt  }
0x5f: {  	_ =	shalt  }
0x60: {  	_ =	shalt  }
0x61: {  	_ =	shalt  }
0x62: {  	_ =	shalt  }
0x63: {  	_ =	shalt  }
0x64: {  	_ =	shalt  }
0x65: {  	_ =	shalt  }
0x66: {  	_ =	shalt  }
0x67: {  	_ =	shalt  }
0x68: {  	_ =	shalt  }
0x69: {  	_ =	shalt  }
0x6a: {  	_ =	shalt  }
0x6b: {  	_ =	shalt  }
0x6c: {  	_ =	shalt  }
0x6d: {  	_ =	shalt  }
0x6e: {  	_ =	shalt  }
0x6f: {  	_ =	shalt  }
0x70: {  	_ =	shalt  }
0x71: {  	_ =	shalt  }
0x72: {  	_ =	shalt  }
0x73: {  	_ =	shalt  }
0x74: {  	_ =	shalt  }
0x75: {  	_ =	shalt  }
0x76: {  	_ =	shalt  }
0x77: {  	_ =	shalt  }
0x78: {  	_ =	shalt  }
0x79: {  	_ =	shalt  }
0x7a: {  	_ =	shalt  }
0x7b: {  	_ =	shalt  }
0x7c: {  	_ =	shalt  }
0x7d: {  	_ =	shalt  }
0x7e: {  	_ =	shalt  }
0x7f: {  	_ =	shalt  }
0x80: {  	_ =	shalt  }
0x81: {  	_ =	shalt  }
0x82: {  	_ =	shalt  }
0x83: {  	_ =	shalt  }
0x84: {  	_ =	shalt  }
0x85: {  	_ =	shalt  }
0x86: {  	_ =	shalt  }
0x87: {  	_ =	shalt  }
.Lfunc_end0:
.L_simem_size_0:
called_computation_lowered:
.L_overlay_start_0:
0x88: {  	s2 =	sld [smem:$0x3FD9]  }
0x89: {  	s3 =	sld [smem:$0x3FFE];
	_ =	sdelay $0x1  }
0x8a: {  	s1 =	srdreg.scid  }
0x8b: {  	s0 =	sand.u32 $0x1, s1  }
0x8c: {  	s14 =	sshll.u32 s0, $0xA;
	s2 =	sadd.s32 s3, s2  }
0x8d: {  	s2 =	sadd.s32 s2, s14  }
0x8e: {  	[smem:$0x3FC2] =	sst s2  }
0x8f: {  	_ = 	snop  }
0x90: {  	s2 =	sld [smem:$0x3FD0];
	_ =	sdelay $0x2  }
0x91: {  	s15 =	simm.s32 $0xA;
	s4 =	simm.s32 $0x10  }
0x92: {  	[smem:s4], [sflag:s15] =	dma.local [hbm:s2], $0x1  }
0x93: {  	_ =	swait.eq [sflag:s15], $0x1  }
0x94: {  	[sflag:s15] =	ssyncset.done $0x0  }
0x95: {  	[sflag:s15] =	ssyncadd.s32 $0xFFFFFFFF  }
0x96: {  	s16 =	sld [smem:$0x11];
	(tm) =	ssettm $0x1  }
0x97: {  	s17 =	sld [smem:$0x3FFB];
	_ =	sdelay $0x3  }
0x98: {  	_ =	strace s17  }
0x99: {  	s3 =	sld [smem:$0x3FFC];
	_ =	sdelay $0x3  }
0x9a: {  	_ =	strace s3  }
0x9b: {  	s3 =	sld [smem:$0x3FFD];
	_ =	sdelay $0x3  }
0x9c: {  	_ =	strace s3  }
0x9d: {  	_ =	strace $0x8FFFFFFF  }
0x9e: {  	s18 =	sld [smem:$0x3FDB];
	_ =	sdelay $0x1  }
0x9f: {  	s19 =	simm.s32 $_scs_section_size  }
0xa0: {  	s5 =	simm.s32 $_size__tile_overlayer_lowered;
	s6 =	simm.s32 $_tile_overlayer_lowered  }
0xa1: {  	s22 =	simm.s32 $0x1BFF;
	s21 =	sshll.u32 s6, $0x1;
	s3 =	sadd.s32 s19, s18  }
0xa2: {  	s7 =	simm.s32 $0x0;
	s20 =	sshll.u32 s5, $0x1;
	s5 =	sadd.s32 s21, s3  }
0xa3: {  	[timem:s7], [sflag:s22] =	dma.local [hbm:s5], s20  }
0xa4: {  	_ =	swait.ge [sflag:s22], s20  }
0xa5: {  	s4 =	ssub.s32 $0x0, s20;
	[sflag:s22] =	ssyncset.done $0x0  }
0xa6: {  	[sflag:s22] =	ssyncadd.s32 s4;
	_ =	sdelay $0x1  }
0xa7: {  	s23 =	simm.s32 $0x1B8B  }
0xa8: {  	_ =	swait.ge [sflag:s23], $0x1  }
0xa9: {  	[sflag:s23] =	ssyncset.done $0x0  }
0xaa: {  	s25 =	simm.s32 $0x1B8E;
	s24 =	sld [smem:$0x3FFE];
	[sflag:s23] =	ssyncadd.s32 $0xFFFFFFFF  }
0xab: {  	s26 =	simm.s32 $execute0_lowered;
	[smem:$0x3FD2] =	sst s25  }
0xac: {  	s5 =	sshll.u32 s26, $0x1;
	_ =	strace $0x80000046;
	[dreg:$0x1] =	wrdreg $0xFFFFFFFF  }
0xad: {  	s28 =	simm.s32 $_size_execute0_lowered;
	s3 =	sadd.s32 s3, s5;
	[dreg:$0x0] =	wrdreg $0x0  }
0xae: {  	s5 =	sshll.u32 s28, $0x1;
	[dreg:$0x2] =	wrdreg s3  }
0xaf: {  	[dreg:$0x3] =	wrdreg s5  }
0xb0: {  	[dreg:$0x4] =	wrdreg $0xC0  }
0xb1: {  	_ =	task [dreg:s7], $0x5FFFF  }
0xb2: {  	[dreg:$0x1] =	wrdreg $0xFFFFFFFF  }
0xb3: {  	[dreg:$0x0] =	wrdreg $0x60  }
0xb4: {  	[dreg:$0x2] =	wrdreg s24  }
0xb5: {  	[dreg:$0x3] =	wrdreg s16  }
0xb6: {  	[dreg:$0x4] =	wrdreg $0x9  }
0xb7: {  	_ =	task.clear_ibuf [dreg:s7], $0x5FFFF;
	_ =	strace $0x90000046  }
0xb8: {  	s29 =	simm.s32 $0x9;
	_ =	strace $0x80000048  }
0xb9: {  	_ =	swait.ge [sflag:s29], $0x1  }
0xba: {  	[sflag:s29] =	ssyncadd.s32 $0xFFFFFFFF  }
0xbb: {  	_ =	strace $0x90000048  }
0xbc: {  	_ =	sfence  }
0xbd: {  	s30 =	sld [smem:$0x0];
	_ =	sdelay $0x2  }
0xbe: {  	s31 =	sshll.u32 s1, $0xD;
	s1 =	sshrl.u32 s1, $0x2  }
0xbf: {  	s3 =	sand.u32 $0x4000, s31;
	s1 =	sadd.s32 s1, s30  }
0xc0: {  	s0 =	sor.u32 s3, s0;
	s1 =	sshll.u32 s1, $0x11  }
0xc1: {  	s0 =	sor.u32 s1, s0  }
0xc2: {  	s0 =	sadd.s32 $0x8F2B, s0  }
0xc3: {  	[sflag:s0] =	ssyncadd.remote.s32 $0x1  }
0xc4: {  	_ =	sfence.sel $0xFFFF  }
0xc5: {  	[dreg:$0x0] =	wrdreg $0xFFFFFFFF;
	(pc) =	sbr.abs _section_cstart, $3  }
0xc6: {  	[dreg:$0x1] =	wrdreg $0xFFFFFFFF  }
0xc7: {  	_ =	task.clear_ibuf [dreg:s7], $0x2FFFF;
	_ =	strace $0x9FFFFFFF  }
0xc8: {  	(tm) =	ssettm $0x7FFFFFFF  }
0xc9: {  	_ =	shalt  }
tec
execute0_lowered:
.L_overlay_start_1:
0x0: {  	(tag) =	ssettag $0x1  }
0x1: {  	s0 =	srdreg.scid  }
0x2: {  	s1 =	rddreg [dreg:$0x0];
	s6 =	stileid.u32  }
0x3: {  	s4 =	rddreg [dreg:$0x1];
	s2 =	simm.s32 $0x0;
	s9 =	simm.s32 $0x6400  }
0x4: {  	s10 =	simm.s32 $0x48;
	s13 =	simm.s32 $0x7D00;
	s17 =	simm.s32 $0x9600  }
0x5: {  	s19 =	simm.s32 $0xA600;
	s20 =	simm.s32 $0x1;
	s21 =	simm.s32 $0xAF00  }
0x6: {  	s22 =	simm.s32 $0xBF00;
	s23 =	simm.s32 $0x2;
	s24 =	simm.s32 $0x5  }
0x7: {  	s28 =	simm.s32 $0x4;
	s29 =	simm.s32 $0x7;
	s30 =	simm.s32 $0x8  }
0x8: {  	s31 =	simm.s32 $0x0;
	s0 =	sand.u32 $0x1, s0;
	s3 =	sshll.u32 s6, $0x8  }
0x9: {  	[smem:$0x7FF] =	sst s2;
	s6 =	smul.u32 $0x32000, s6;
	s5 =	sshll.u32 s0, $0x7  }
0xa: {  	_ =	strace $0x80000047;
	s25 =	ssub.s32 $0x2, s0;
	s0 =	smul.u32 $0x19000, s0  }
.Ltmp0:
0xb: {  	s3 =	sor.u32 s5, s3;
	s8 =	sshrl.u32 s25, $0x1;
	(pc) =	sbr.rel .LBB2_1-.Ltmp0, $4  }
0xc: {  	s6 =	sadd.s32 s6, s4;
	s3 =	smul.u32 $0x19, s3;
	s26 =	ssub.s32 s25, s8  }
0xd: {  	s6 =	sadd.s32 s0, s6;
	s8 =	simm.s32 $0x80;
	s25 =	simm.s32 $0x3  }
0xe: {  	s5 =	smax.u32 s26, $0x1;
	s26 =	simm.s32 $0x6;
	s7 =	sadd.s32 s3, s1  }
0xf: {  	s3 =	sadd.s32 $0xF43400, s1;
	s4 =	sadd.s32 $0x1000, s7;
	s7 =	simm.s32 $0x9  }
.LBB2_4:
0x10: {  	s31 =	sadd.s32 $0x1, s31  }
0x11: {  	p0 =	sne.s32 s31, s5  }
.Ltmp1:
0x12: {  	_ = 	snop;
	(pc) =	sbr.rel @!p0 .LBB2_5-.Ltmp1, $4  }
0x13: {  	_ = 	snop  }
0x14: {  	_ =	swait.ge [sflag:s30], $0x1900  }
0x15: {  	[sflag:s30] =	ssyncset.done $0x0  }
0x16: {  	[sflag:s30] =	ssyncadd.s32 $0xFFFFE700  }
.LBB2_1:
0x17: {  	[tilespmem:s2], [sflag:$0x9] =	stream.linear.gather [hbm4b:s4+s2], $0x6400, $0x38;
	[tilespmem:$0xC800] =	vst v63  }
0x18: {  	_ =	swait.ge [sflag:s7], $0x6400  }
0x19: {  	[sflag:s7] =	ssyncset.done $0x0  }
0x1a: {  	[sflag:s7] =	ssyncadd.s32 $0xFFFF9C00  }
0x1b: {  	[tilespmem:s9], [sflag:$0x1] =	stream.indirect.gather [hbm4b:s3+s8], $0x20, s2, s8, $0xb8;
	[tilespmem:$0xC800] =	vst v63  }
0x1c: {  	s0 =	simm.s32 $0x7400  }
0x1d: {  	[tilespmem:s0], [sflag:$0x1] =	stream.indirect.gather [hbm4b:s3+s10], $0x20, s8, s10, $0xb8;
	[tilespmem:$0xC800] =	vst v63  }
0x1e: {  	s14 =	simm.s32 $0xC8  }
0x1f: {  	[tilespmem:s13], [sflag:$0x2] =	stream.indirect.gather [hbm4b:s3+s8], $0x20, s14, s8, $0xb8;
	[tilespmem:$0xC800] =	vst v63  }
0x20: {  	s15 =	simm.s32 $0x148;
	s1 =	simm.s32 $0x8D00  }
0x21: {  	[tilespmem:s1], [sflag:$0x2] =	stream.indirect.gather [hbm4b:s3+s10], $0x20, s15, s10, $0xb8;
	[tilespmem:$0xC800] =	vst v63  }
0x22: {  	s16 =	simm.s32 $0x190  }
0x23: {  	[tilespmem:s17], [sflag:$0x3] =	stream.indirect.gather [hbm4b:s3+s8], $0x20, s16, s8, $0xb8;
	[tilespmem:$0xC800] =	vst v63  }
0x24: {  	s18 =	simm.s32 $0x210;
	s1 =	simm.s32 $0x0  }
0x25: {  	[tilespmem:s19], [sflag:$0x3] =	stream.indirect.gather [hbm4b:s3+s10], $0x20, s18, s10, $0xb8;
	[tilespmem:$0xC800] =	vst v63  }
.LBB2_2:
0x26: {  	_ =	swait.ge [sflag:s20], $0x1000  }
0x27: {  	[sflag:s20] =	ssyncset.done $0x0  }
0x28: {  	[sflag:s20] =	ssyncadd.s32 $0xFFFFF000  }
0x29: {  	_ =	swait.ge [sflag:s20], $0x900  }
0x2a: {  	p0 =	seq.s32 s1, $0x0;
	[sflag:s20] =	ssyncset.done $0x0  }
0x2b: {  	s11 =	sadd.s32 s1, s6;
	s12 =	simm.s32 @!p0 $0x8;
	[sflag:s20] =	ssyncadd.s32 $0xFFFFF700  }
0x2c: {  	[hbm4b:s11+s2] =	stream.linear.scatter [tilespmem:s9], [sflag:$0x5], $0x1900, $0x38;
	[tilespmem:$0xC800] =	vst v63  }
0x2d: {  	_ =	swait.ge @!p0 [sflag:s12], $0x1900  }
0x2e: {  	s0 =	sshra.s32 s1, $0x2;
	[sflag:s12] =	ssyncset.done @!p0 $0x0  }
0x2f: {  	s14 =	sadd.s32 $0x258, s0;
	[sflag:s12] =	ssyncadd.s32 @!p0 $0xFFFFE700  }
0x30: {  	[tilespmem:s21], [sflag:$0x4] =	stream.indirect.gather [hbm4b:s3+s8], $0x20, s14, s8, $0xb8;
	[tilespmem:$0xC800] =	vst v63  }
0x31: {  	s15 =	sadd.s32 $0x2D8, s0  }
0x32: {  	[tilespmem:s22], [sflag:$0x4] =	stream.indirect.gather [hbm4b:s3+s10], $0x20, s15, s10, $0xb8;
	[tilespmem:$0xC800] =	vst v63  }
0x33: {  	_ =	swait.ge [sflag:s23], $0x1000  }
0x34: {  	[sflag:s23] =	ssyncset.done $0x0  }
0x35: {  	[sflag:s23] =	ssyncadd.s32 $0xFFFFF000  }
0x36: {  	_ =	swait.ge [sflag:s23], $0x900  }
0x37: {  	[sflag:s23] =	ssyncset.done $0x0  }
0x38: {  	s16 =	sadd.s32 $0x320, s11;
	p0 =	seq.s32 s1, $0x18380;
	[sflag:s23] =	ssyncadd.s32 $0xFFFFF700  }
0x39: {  	[hbm4b:s16+s2] =	stream.linear.scatter [tilespmem:s13], [sflag:$0x6], $0x1900, $0x38;
	[tilespmem:$0xC800] =	vst v63  }
0x3a: {  	s12 =	sshra.s32 @!p0 s1, $0x2;
	_ =	swait.ge [sflag:s24], $0x1900  }
0x3b: {  	s14 =	sadd.s32 @!p0 $0x320, s12;
	[sflag:s24] =	ssyncset.done $0x0  }
0x3c: {  	s15 =	simm.s32 @!p0 $0x80;
	s16 =	simm.s32 @!p0 $0x6400;
	[sflag:s24] =	ssyncadd.s32 $0xFFFFE700  }
0x3d: {  	[tilespmem:s16], [sflag:$0x1] =	stream.indirect.gather @!p0 [hbm4b:s3+s15], $0x20, s14, s15, $0xb8;
	[tilespmem:$0xC800] =	vst v63  }
0x3e: {  	s18 =	simm.s32 @!p0 $0x7400;
	s14 =	sadd.s32 @!p0 $0x3A0, s12;
	s16 =	simm.s32 @!p0 $0x48  }
0x3f: {  	[tilespmem:s18], [sflag:$0x1] =	stream.indirect.gather @!p0 [hbm4b:s3+s16], $0x20, s14, s16, $0xb8;
	[tilespmem:$0xC800] =	vst v63  }
0x40: {  	_ =	swait.ge [sflag:s25], $0x1000  }
0x41: {  	[sflag:s25] =	ssyncset.done $0x0  }
0x42: {  	[sflag:s25] =	ssyncadd.s32 $0xFFFFF000  }
0x43: {  	_ =	swait.ge [sflag:s25], $0x900  }
0x44: {  	[sflag:s25] =	ssyncset.done $0x0  }
0x45: {  	s18 =	sadd.s32 $0x640, s11;
	[sflag:s25] =	ssyncadd.s32 $0xFFFFF700  }
0x46: {  	[hbm4b:s18+s2] =	stream.linear.scatter [tilespmem:s17], [sflag:$0x7], $0x1900, $0x38;
	[tilespmem:$0xC800] =	vst v63  }
0x47: {  	_ =	swait.ge [sflag:s26], $0x1900  }
0x48: {  	[sflag:s26] =	ssyncset.done $0x0  }
0x49: {  	s14 =	sadd.s32 @!p0 $0x3E8, s12;
	s18 =	simm.s32 @!p0 $0x7D00;
	[sflag:s26] =	ssyncadd.s32 $0xFFFFE700  }
0x4a: {  	[tilespmem:s18], [sflag:$0x2] =	stream.indirect.gather @!p0 [hbm4b:s3+s15], $0x20, s14, s15, $0xb8;
	[tilespmem:$0xC800] =	vst v63  }
0x4b: {  	s12 =	sadd.s32 @!p0 $0x468, s12;
	s14 =	simm.s32 @!p0 $0x8D00  }
0x4c: {  	[tilespmem:s14], [sflag:$0x2] =	stream.indirect.gather @!p0 [hbm4b:s3+s16], $0x20, s12, s16, $0xb8;
	[tilespmem:$0xC800] =	vst v63  }
0x4d: {  	_ =	swait.ge [sflag:s28], $0x1000  }
0x4e: {  	[sflag:s28] =	ssyncset.done $0x0  }
0x4f: {  	[sflag:s28] =	ssyncadd.s32 $0xFFFFF000  }
0x50: {  	_ =	swait.ge [sflag:s28], $0x900  }
0x51: {  	[sflag:s28] =	ssyncset.done $0x0  }
.Ltmp2:
0x52: {  	s11 =	sadd.s32 $0x960, s11;
	[sflag:s28] =	ssyncadd.s32 $0xFFFFF700;
	(pc) =	sbr.rel @p0 .LBB2_4-.Ltmp2, $4  }
0x53: {  	[hbm4b:s11+s2] =	stream.linear.scatter [tilespmem:s21], [sflag:$0x8], $0x1900, $0x38;
	[tilespmem:$0xC800] =	vst v63  }
0x54: {  	_ =	swait.ge [sflag:s29], $0x1900  }
0x55: {  	[sflag:s29] =	ssyncset.done $0x0  }
0x56: {  	[sflag:s29] =	ssyncadd.s32 $0xFFFFE700  }
.Ltmp3:
0x57: {  	(pc) =	sbr.rel .LBB2_2-.Ltmp3, $4  }
0x58: {  	s11 =	sadd.s32 $0x4B0, s0  }
0x59: {  	[tilespmem:s17], [sflag:$0x3] =	stream.indirect.gather [hbm4b:s3+s8], $0x20, s11, s8, $0xb8;
	[tilespmem:$0xC800] =	vst v63  }
0x5a: {  	s18 =	sadd.s32 $0x530, s0;
	s1 =	sadd.s32 $0xC80, s1  }
0x5b: {  	[tilespmem:s19], [sflag:$0x3] =	stream.indirect.gather [hbm4b:s3+s10], $0x20, s18, s10, $0xb8;
	[tilespmem:$0xC800] =	vst v63  }
.LBB2_5:
0x5c: {  	_ =	sfence.sel $0x180000  }
0x5d: {  	[bflag:$0x0] =	sbarrier.arrive $0xFFFF  }
0x5e: {  	_ =	strace $0x90000047  }
0x5f: {  	s0 =	stileid.u32;
	[bflag:$0x2] =	sbarrier.arrive $0xFFFF  }
0x60: {  	p0 =	sne.s32 s0, $0x0;
	s0 =	rddreg [dreg:$0x2]  }
0x61: {  	s0 =	sadd.s32 @!p0 $0x100000, s0  }
0x62: {  	[sflag:s0] =	ssyncadd.tile.s32 @!p0 $0x1;
	_ =	shalt  }
.Lfunc_end2:
_tile_overlayer_lowered:
.L_overlay_start_2:
0x63: {  	(tag) =	ssettag $0x2  }
0x64: {  	s0 =	rddreg [dreg:$0x0];
	s2 =	stileid.u32  }
0x65: {  	s1 =	rddreg [dreg:$0x1];
	p0 =	sne.s32 s2, $0x0  }
0x66: {  	s3 =	rddreg [dreg:$0x2];
	[bflag:$0x3] =	sbarrier.arrive $0xFFFF;
	s2 =	simm.s32 @!p0 $0x1C09  }
0x67: {  	[timem:s3], [sflag:s2] =	dma.local @!p0 [hbm:s0], s1  }
0x68: {  	s0 =	simm.s32 @!p0 $0x9  }
0x69: {  	_ =	swait.ge @!p0 [sflag:s0], s1  }
0x6a: {  	s1 =	ssub.s32 @!p0 $0x0, s1;
	[sflag:s0] =	ssyncset.done @!p0 $0x0  }
0x6b: {  	[sflag:s0] =	ssyncadd.s32 @!p0 s1  }
0x6c: {  	[bflag:$0x3] =	sbarrier.arrive $0xFFFF  }
0x6d: {  	_ =	shalt  }

</sc_bundles>
